<compile_context>
chip_gen: v7x
topology: tpu7x:2x2x1
jax: 0.10.2.dev20260603
libtpu: 0.0.44.dev20260713+nightly
codegen_flags: <defaults>
</compile_context>

<pallas_src>
import functools

import jax
import jax.numpy as jnp
from jax import lax
from jax.experimental import pallas as pl
from jax.experimental.pallas import tpu as pltpu
from jax.experimental.pallas import tpu_sc as plsc

_E = 10
_K = 3
_EP = 16
_BT = 2048


def _gating_body(x_ref, w_ref, b_ref, nb_ref, logits_ref, weights_ref, wpad_ref):
    y = jnp.dot(x_ref[...], w_ref[...], preferred_element_type=jnp.float32)
    y = y + b_ref[...]
    noise_std = jax.nn.softplus(y[:, _EP:])
    logits = y[:, :_EP] + nb_ref[...] * noise_std
    logits_ref[...] = logits[:, :_E]
    m = jnp.max(logits, axis=1, keepdims=True)
    e = jnp.exp(logits - m)
    w = e / jnp.sum(e, axis=1, keepdims=True)
    weights_ref[...] = w[:, :_E]
    wpad_ref[...] = w


def _gating(x, nb, Wc, bc):
    T, D = x.shape
    grid = (T // _BT,)
    return pl.pallas_call(
        _gating_body,
        grid=grid,
        in_specs=[
            pl.BlockSpec((_BT, D), lambda i: (i, 0)),
            pl.BlockSpec((D, 2 * _EP), lambda i: (0, 0)),
            pl.BlockSpec((1, 2 * _EP), lambda i: (0, 0)),
            pl.BlockSpec((_BT, _EP), lambda i: (i, 0)),
        ],
        out_specs=[
            pl.BlockSpec((_BT, _E), lambda i: (i, 0)),
            pl.BlockSpec((_BT, _E), lambda i: (i, 0)),
            pl.BlockSpec((_BT, _EP), lambda i: (i, 0)),
        ],
        out_shape=[
            jax.ShapeDtypeStruct((T, _E), jnp.float32),
            jax.ShapeDtypeStruct((T, _E), jnp.float32),
            jax.ShapeDtypeStruct((T, _EP), jnp.float32),
        ],
        compiler_params=pltpu.CompilerParams(
            dimension_semantics=("arbitrary",),
        ),
    )(x, Wc, bc, nb)


def _make_sc_router(T, half, hoff, nc, ns):
    nw = nc * ns
    tpw = half // nw
    mesh = plsc.VectorSubcoreMesh(core_axis_name="c", subcore_axis_name="s")

    @functools.partial(
        pl.kernel,
        out_type=jax.ShapeDtypeStruct((half, _EP), jnp.float32),
        mesh=mesh,
        scratch_types=[
            pltpu.VMEM((tpw * _EP,), jnp.float32),
            pltpu.VMEM((tpw, _EP), jnp.float32),
            pltpu.VMEM((_EP,), jnp.int32),
        ],
        compiler_params=pltpu.CompilerParams(needs_layout_passes=False),
    )
    def sc_router(wpad_hbm, keep_hbm, p_hbm, in_v, p_v, k_v):
        wid = lax.axis_index("s") * nc + lax.axis_index("c")
        base = hoff * _EP + wid * tpw * _EP
        pltpu.sync_copy(wpad_hbm.at[pl.ds(base, tpw * _EP)], in_v)
        pltpu.sync_copy(keep_hbm, k_v)
        lanes = lax.iota(jnp.int32, _EP)
        keepb = k_v[...] != 0
        emask = lanes < _E
        p1 = lanes ^ 1
        p2 = lanes ^ 2
        pidx = (lanes + _EP - _E) & (_EP - 1)
        zeros = jnp.zeros((_EP,), jnp.float32)

        @plsc.parallel_loop(0, tpw, unroll=4)
        def _route(t):
            w = in_v[pl.ds(t * _EP, _EP)]
            wk = jnp.where(emask, w, -1.0)
            sk, sv = plsc.sort_key_val(wk, lanes, descending=True)
            kept = jnp.where(keepb, sk, 0.0)
            s = kept + jnp.take(kept, p1)
            s = s + jnp.take(s, p2)
            norm = kept / s
            svf = plsc.bitcast(jnp.take(sv, pidx), jnp.float32)
            base_row = jnp.where(emask, zeros,
                                 jnp.where(lanes < _E + _K, svf, zeros))
            p_v[t] = base_row
            trow = jnp.full((_EP,), t, jnp.int32)
            plsc.store_scatter(p_v, [trow, sv], norm, mask=keepb)

        pltpu.sync_copy(p_v, p_hbm.at[pl.ds(wid * tpw, tpw), :])

    return sc_router


def kernel(x, noise_base, Wg, bg, Wn, bn, top_k):
    T, D = x.shape
    E = Wg.shape[0]
    Wc = (jnp.zeros((D, 2 * _EP), jnp.float32)
          .at[:, :E].set(Wg.T).at[:, _EP:_EP + E].set(Wn.T))
    bc = (jnp.full((1, 2 * _EP), 0.0, jnp.float32)
          .at[0, :E].set(bg)
          .at[0, E:_EP].set(-1e30)
          .at[0, _EP:_EP + E].set(bn))
    nb = jnp.pad(noise_base, ((0, 0), (0, _EP - E)))
    keep = (jnp.arange(_EP, dtype=jnp.int32)
            < jnp.minimum(jnp.asarray(top_k, jnp.int32), _K)).astype(jnp.int32)

    logits, weights, wpad = _gating(x, nb, Wc, bc)

    info = plsc.get_sparse_core_info()
    half = T // 2
    wpad_flat = wpad.reshape(-1)
    halves = []
    for h in range(2):
        router = _make_sc_router(T, half, h * half,
                                 info.num_cores, info.num_subcores)
        halves.append(router(wpad_flat, keep))

    pfull = jnp.concatenate(halves, axis=0)
    dense = pfull[:, :_E]
    idx = lax.bitcast_convert_type(pfull[:, _E:_E + _K], jnp.int32)
    return (dense, weights, logits, idx)

# --- scband reference (transcript-rebuilt; emitter-appended) ---
"""Pipeline reference for scband-hive-mind-67379446939872 (READ-ONLY COPY).

The authoritative reference and input builder live on the scoring server;
editing this copy changes nothing except your own understanding.
"""

import jax, jax.numpy as jnp
import numpy as np

T = 32768  # tokens = batch(4) * seq_len(8192)
D = 768    # observation/model dim
E = 10     # number of experts in HiveMind swarm
K = 3      # top_k default


def setup_inputs(seed: int = 0) -> dict:
    key = jax.random.key(seed)
    ks = jax.random.split(key, 6)
    x = jax.random.normal(ks[0], (T, D), dtype=jnp.float32)
    # noise_base stands in for torch.randn_like(clean_logits) so the run is deterministic
    noise_base = jax.random.normal(ks[1], (T, E), dtype=jnp.float32)
    # NoisyGatingNetwork parameters: w_gating and w_noise Linear(D -> E)
    Wg = jax.random.normal(ks[2], (E, D), dtype=jnp.float32) * (1.0 / np.sqrt(D))
    bg = jnp.zeros((E,), dtype=jnp.float32)
    Wn = jax.random.normal(ks[3], (E, D), dtype=jnp.float32) * (1.0 / np.sqrt(D))
    bn = jnp.zeros((E,), dtype=jnp.float32)
    return {"x": x, "noise_base": noise_base, "Wg": Wg, "bg": bg, "Wn": Wn, "bn": bn, "top_k": K}


def reference(x, noise_base, Wg, bg, Wn, bn, top_k):
    # NoisyGatingNetwork.forward (training=True)
    clean_logits = x @ Wg.T + bg
    raw_noise_std = x @ Wn.T + bn
    noise_std = jax.nn.softplus(raw_noise_std)
    logits = clean_logits + noise_base * noise_std
    weights = jax.nn.softmax(logits, axis=-1)
    # HiveMind routing: top-k expert selection, renormalize selected weights,
    # scatter back to a dense combine-weight matrix (standard sparse MoE combine).
    top_k_vals, top_k_indices = jax.lax.top_k(weights, K)
    top_k_vals = jnp.where(jnp.arange(K) < top_k, top_k_vals, jnp.zeros_like(top_k_vals))
    top_k_vals_norm = top_k_vals / jnp.sum(top_k_vals, axis=-1, keepdims=True)
    rows = jnp.arange(weights.shape[0])[:, None]
    dense_combine = jnp.zeros_like(weights).at[rows, top_k_indices].set(top_k_vals_norm)
    return (dense_combine, weights, logits, top_k_indices)

if __name__ == "__main__":
    import jax
    _d = setup_inputs()
    print(jax.jit(kernel)(*tuple(_d.values())))

</pallas_src>

<mosaic_0001>
#map = affine_map<(d0, d1) -> (0)>
#map1 = affine_map<(d0, d1) -> (0, 0)>
module attributes {stable_mosaic.version = 14 : i64} {
  func.func @sc_router(%arg0: i32, %arg1: i32, %arg2: memref<524288xf32, #tpu.memory_space<hbm>>, %arg3: memref<16xi32, #tpu.memory_space<hbm>>, %arg4: memref<16384x16xf32, #tpu.memory_space<hbm>>, %arg5: memref<8192xf32, #tpu.memory_space<vmem>>, %arg6: memref<512x16xf32, #tpu.memory_space<vmem>>, %arg7: memref<16xi32, #tpu.memory_space<vmem>>) attributes {dimension_semantics = [#tpu.dimension_semantics<core_parallel>, #tpu.dimension_semantics<subcore_parallel>], iteration_bounds = array<i64: 2, 16>, scalar_prefetch = 0 : i64, scratch_operands = 3 : i64, tpu.core_type = #tpu.core_type<sc_vector_subcore>, window_params = [{transform_indices = #map}, {transform_indices = #map}, {transform_indices = #map1}]} {
    %mul3A = arith.constant 2 : i32
    %mul3A_0 = arith.muli %arg1, %mul3A : i32
    %add3A = arith.addi %mul3A_0, %arg0 : i32
    %mul3A_1 = arith.constant 512 : i32
    %mul3A_2 = arith.muli %add3A, %mul3A_1 : i32
    %mul3A_3 = arith.constant 16 : i32
    %mul3A_4 = arith.muli %mul3A_2, %mul3A_3 : i32
    %add3A_5 = arith.constant 262144 : i32
    %add3A_6 = arith.addi %add3A_5, %mul3A_4 : i32
    "tpu.region"() ({
      %run_scoped3A = tpu.sem_alloc : memref<!tpu.dma_semaphore, #tpu.memory_space<semaphore_mem>>
      %dma_start3A = tpu.memref_slice %arg2[%add3A_6] : memref<524288xf32, #tpu.memory_space<hbm>> -> memref<8192xf32, #tpu.memory_space<hbm>>
      %dma_start3A_29 = tpu.memref_slice %arg2[%add3A_6] : memref<524288xf32, #tpu.memory_space<hbm>> -> memref<8192xf32, #tpu.memory_space<hbm>>
      tpu.enqueue_dma source(%dma_start3A_29 : memref<8192xf32, #tpu.memory_space<hbm>>) target(%arg5 : memref<8192xf32, #tpu.memory_space<vmem>>) target_semaphore(%run_scoped3A : memref<!tpu.dma_semaphore, #tpu.memory_space<semaphore_mem>>)
      %dma_wait3A = tpu.memref_slice %arg2[%add3A_6] : memref<524288xf32, #tpu.memory_space<hbm>> -> memref<8192xf32, #tpu.memory_space<hbm>>
      %dma_wait3A_30 = tpu.memref_slice %arg2[%add3A_6] : memref<524288xf32, #tpu.memory_space<hbm>> -> memref<8192xf32, #tpu.memory_space<hbm>>
      tpu.wait_dma2 semaphore(%run_scoped3A : memref<!tpu.dma_semaphore, #tpu.memory_space<semaphore_mem>>) src(%dma_wait3A_30 : memref<8192xf32, #tpu.memory_space<hbm>>) dst(%arg5 : memref<8192xf32, #tpu.memory_space<vmem>>)
      tpu.yield
    }) : () -> ()
    "tpu.region"() ({
      %run_scoped3A = tpu.sem_alloc : memref<!tpu.dma_semaphore, #tpu.memory_space<semaphore_mem>>
      tpu.enqueue_dma source(%arg3 : memref<16xi32, #tpu.memory_space<hbm>>) target(%arg7 : memref<16xi32, #tpu.memory_space<vmem>>) target_semaphore(%run_scoped3A : memref<!tpu.dma_semaphore, #tpu.memory_space<semaphore_mem>>)
      tpu.wait_dma2 semaphore(%run_scoped3A : memref<!tpu.dma_semaphore, #tpu.memory_space<semaphore_mem>>) src(%arg3 : memref<16xi32, #tpu.memory_space<hbm>>) dst(%arg7 : memref<16xi32, #tpu.memory_space<vmem>>)
      tpu.yield
    }) : () -> ()
    %iota3A = tpu.iota {dimensions = array<i32: 0>} : vector<16xi32>
    %get3A = arith.constant 0 : index
    %get3A_7 = tpu.vector_load %arg7[%get3A] {strides = array<i32>} : memref<16xi32, #tpu.memory_space<vmem>>, vector<16xi32>,
    %ne3A = arith.constant 0 : i32
    %ne3A_8 = vector.broadcast %ne3A : i32 to vector<16xi32>
    %ne3A_9 = arith.cmpi ne, %get3A_7, %ne3A_8 : vector<16xi32>
    %lt3A = arith.constant 10 : i32
    %lt3A_10 = vector.broadcast %lt3A : i32 to vector<16xi32>
    %lt3A_11 = arith.cmpi slt, %iota3A, %lt3A_10 : vector<16xi32>
    %xor3A = arith.constant 1 : i32
    %xor3A_12 = vector.broadcast %xor3A : i32 to vector<16xi32>
    %xor3A_13 = arith.xori %iota3A, %xor3A_12 : vector<16xi32>
    %xor3A_14 = arith.constant 2 : i32
    %xor3A_15 = vector.broadcast %xor3A_14 : i32 to vector<16xi32>
    %xor3A_16 = arith.xori %iota3A, %xor3A_15 : vector<16xi32>
    %add3A_17 = arith.constant 16 : i32
    %add3A_18 = vector.broadcast %add3A_17 : i32 to vector<16xi32>
    %add3A_19 = arith.addi %iota3A, %add3A_18 : vector<16xi32>
    %sub3A = arith.constant 10 : i32
    %sub3A_20 = vector.broadcast %sub3A : i32 to vector<16xi32>
    %sub3A_21 = arith.subi %add3A_19, %sub3A_20 : vector<16xi32>
    %and3A = arith.constant 15 : i32
    %and3A_22 = vector.broadcast %and3A : i32 to vector<16xi32>
    %and3A_23 = arith.andi %sub3A_21, %and3A_22 : vector<16xi32>
    %broadcast_in_dim3A = arith.constant 0.000000e+00 : f32
    %broadcast_in_dim3A_24 = vector.broadcast %broadcast_in_dim3A : f32 to vector<16xf32>
    %parallel_loop3A = arith.constant 0 : i32
    %parallel_loop3A_25 = arith.constant 512 : i32
    %parallel_loop3A_26 = arith.constant 1 : i32
    scf.for %parallel_loop3A_29 = %parallel_loop3A to %parallel_loop3A_25 step %parallel_loop3A_26  : i32 {
      %parallel_loop3A_30 = arith.constant 16 : i32
      %parallel_loop3A_31 = arith.muli %parallel_loop3A_29, %parallel_loop3A_30 : i32
      %parallel_loop3A_32 = arith.index_cast %parallel_loop3A_31 : i32 to index
      %parallel_loop3A_33 = tpu.vector_load %arg5[%parallel_loop3A_32] {strides = array<i32>} : memref<8192xf32, #tpu.memory_space<vmem>>, vector<16xf32>,
      %parallel_loop3A_34 = arith.constant -1.000000e+00 : f32
      %parallel_loop3A_35 = vector.broadcast %parallel_loop3A_34 : f32 to vector<16xf32>
      %parallel_loop3A_36 = arith.select %lt3A_11, %parallel_loop3A_33, %parallel_loop3A_35 : vector<16xi1>, vector<16xf32>
      %parallel_loop3A_37 = arith.constant dense<true> : vector<16xi1>
      %parallel_loop3A_38, %parallel_loop3A_39, %parallel_loop3A_40 = tpu.sort %parallel_loop3A_36, %iota3A masked %parallel_loop3A_37 {descending = true} : (vector<16xf32>, vector<16xi32>, vector<16xi1>) -> (vector<16xi1>, vector<16xf32>, vector<16xi32>)
      %parallel_loop3A_41 = arith.constant 0.000000e+00 : f32
      %parallel_loop3A_42 = vector.broadcast %parallel_loop3A_41 : f32 to vector<16xf32>
      %parallel_loop3A_43 = arith.select %ne3A_9, %parallel_loop3A_39, %parallel_loop3A_42 : vector<16xi1>, vector<16xf32>
      %parallel_loop3A_44 = arith.constant 0 : i32
      %parallel_loop3A_45 = vector.broadcast %parallel_loop3A_44 : i32 to vector<16xi32>
      %parallel_loop3A_46 = arith.cmpi slt, %xor3A_13, %parallel_loop3A_45 : vector<16xi32>
      %parallel_loop3A_47 = arith.constant 16 : i32
      %parallel_loop3A_48 = vector.broadcast %parallel_loop3A_47 : i32 to vector<16xi32>
      %parallel_loop3A_49 = arith.addi %xor3A_13, %parallel_loop3A_48 : vector<16xi32>
      %parallel_loop3A_50 = arith.select %parallel_loop3A_46, %parallel_loop3A_49, %xor3A_13 : vector<16xi1>, vector<16xi32>
      %parallel_loop3A_51 = vector.shape_cast %parallel_loop3A_50 : vector<16xi32> to vector<16x1xi32>
      %parallel_loop3A_52 = vector.shape_cast %parallel_loop3A_51 : vector<16x1xi32> to vector<16xi32>
      %parallel_loop3A_53 = tpu.dynamic_gather %parallel_loop3A_43[%parallel_loop3A_52] in [0] : vector<16xf32>, vector<16xi32> -> vector<16xf32>
      %parallel_loop3A_54 = arith.addf %parallel_loop3A_43, %parallel_loop3A_53 : vector<16xf32>
      %parallel_loop3A_55 = arith.constant 0 : i32
      %parallel_loop3A_56 = vector.broadcast %parallel_loop3A_55 : i32 to vector<16xi32>
      %parallel_loop3A_57 = arith.cmpi slt, %xor3A_16, %parallel_loop3A_56 : vector<16xi32>
      %parallel_loop3A_58 = arith.constant 16 : i32
      %parallel_loop3A_59 = vector.broadcast %parallel_loop3A_58 : i32 to vector<16xi32>
      %parallel_loop3A_60 = arith.addi %xor3A_16, %parallel_loop3A_59 : vector<16xi32>
      %parallel_loop3A_61 = arith.select %parallel_loop3A_57, %parallel_loop3A_60, %xor3A_16 : vector<16xi1>, vector<16xi32>
      %parallel_loop3A_62 = vector.shape_cast %parallel_loop3A_61 : vector<16xi32> to vector<16x1xi32>
      %parallel_loop3A_63 = vector.shape_cast %parallel_loop3A_62 : vector<16x1xi32> to vector<16xi32>
      %parallel_loop3A_64 = tpu.dynamic_gather %parallel_loop3A_54[%parallel_loop3A_63] in [0] : vector<16xf32>, vector<16xi32> -> vector<16xf32>
      %parallel_loop3A_65 = arith.addf %parallel_loop3A_54, %parallel_loop3A_64 : vector<16xf32>
      %parallel_loop3A_66 = arith.divf %parallel_loop3A_43, %parallel_loop3A_65 : vector<16xf32>
      %parallel_loop3A_67 = arith.constant 0 : i32
      %parallel_loop3A_68 = vector.broadcast %parallel_loop3A_67 : i32 to vector<16xi32>
      %parallel_loop3A_69 = arith.cmpi slt, %and3A_23, %parallel_loop3A_68 : vector<16xi32>
      %parallel_loop3A_70 = arith.constant 16 : i32
      %parallel_loop3A_71 = vector.broadcast %parallel_loop3A_70 : i32 to vector<16xi32>
      %parallel_loop3A_72 = arith.addi %and3A_23, %parallel_loop3A_71 : vector<16xi32>
      %parallel_loop3A_73 = arith.select %parallel_loop3A_69, %parallel_loop3A_72, %and3A_23 : vector<16xi1>, vector<16xi32>
      %parallel_loop3A_74 = vector.shape_cast %parallel_loop3A_73 : vector<16xi32> to vector<16x1xi32>
      %parallel_loop3A_75 = vector.shape_cast %parallel_loop3A_74 : vector<16x1xi32> to vector<16xi32>
      %parallel_loop3A_76 = tpu.dynamic_gather %parallel_loop3A_40[%parallel_loop3A_75] in [0] : vector<16xi32>, vector<16xi32> -> vector<16xi32>
      %parallel_loop3A_77 = vector.bitcast %parallel_loop3A_76 : vector<16xi32> to vector<16xf32>
      %parallel_loop3A_78 = arith.constant 13 : i32
      %parallel_loop3A_79 = vector.broadcast %parallel_loop3A_78 : i32 to vector<16xi32>
      %parallel_loop3A_80 = arith.cmpi slt, %iota3A, %parallel_loop3A_79 : vector<16xi32>
      %parallel_loop3A_81 = arith.select %parallel_loop3A_80, %parallel_loop3A_77, %broadcast_in_dim3A_24 : vector<16xi1>, vector<16xf32>
      %parallel_loop3A_82 = arith.select %lt3A_11, %broadcast_in_dim3A_24, %parallel_loop3A_81 : vector<16xi1>, vector<16xf32>
      %parallel_loop3A_83 = arith.index_cast %parallel_loop3A_29 : i32 to index
      %parallel_loop3A_84 = arith.constant 0 : index
      %parallel_loop3A_85 = tpu.vector_load %arg6[%parallel_loop3A_83, %parallel_loop3A_84] {strides = array<i32>} : memref<512x16xf32, #tpu.memory_space<vmem>>, vector<16xf32>,
      tpu.vector_store %arg6[%parallel_loop3A_83, %parallel_loop3A_84], %parallel_loop3A_82 {strides = array<i32>} : memref<512x16xf32, #tpu.memory_space<vmem>>, vector<16xf32>,
      %parallel_loop3A_86 = vector.broadcast %parallel_loop3A_29 : i32 to vector<16xi32>
      tpu.vector_store_idx %arg6[%parallel_loop3A_86, %parallel_loop3A_40], %parallel_loop3A_66 masked %ne3A_9 : memref<512x16xf32, #tpu.memory_space<vmem>>[vector<16xi32>, vector<16xi32>], vector<16xf32>, vector<16xi1>
    } {sc.loop_unroll_factor = 4 : i64, sc.parallel_access}
    %mul3A_27 = arith.constant 512 : i32
    %mul3A_28 = arith.muli %add3A, %mul3A_27 : i32
    "tpu.region"() ({
      %run_scoped3A = tpu.sem_alloc : memref<!tpu.dma_semaphore, #tpu.memory_space<semaphore_mem>>
      %dma_start3A = arith.constant 0 : i32
      %dma_start3A_29 = tpu.memref_slice %arg4[%mul3A_28, %dma_start3A] : memref<16384x16xf32, #tpu.memory_space<hbm>> -> memref<512x16xf32, #tpu.memory_space<hbm>>
      %dma_start3A_30 = arith.constant 0 : i32
      %dma_start3A_31 = tpu.memref_slice %arg4[%mul3A_28, %dma_start3A_30] : memref<16384x16xf32, #tpu.memory_space<hbm>> -> memref<512x16xf32, #tpu.memory_space<hbm>>
      tpu.enqueue_dma source(%arg6 : memref<512x16xf32, #tpu.memory_space<vmem>>) target(%dma_start3A_31 : memref<512x16xf32, #tpu.memory_space<hbm>>) target_semaphore(%run_scoped3A : memref<!tpu.dma_semaphore, #tpu.memory_space<semaphore_mem>>)
      %dma_wait3A = arith.constant 0 : i32
      %dma_wait3A_32 = tpu.memref_slice %arg4[%mul3A_28, %dma_wait3A] : memref<16384x16xf32, #tpu.memory_space<hbm>> -> memref<512x16xf32, #tpu.memory_space<hbm>>
      %dma_wait3A_33 = arith.constant 0 : i32
      %dma_wait3A_34 = tpu.memref_slice %arg4[%mul3A_28, %dma_wait3A_33] : memref<16384x16xf32, #tpu.memory_space<hbm>> -> memref<512x16xf32, #tpu.memory_space<hbm>>
      tpu.wait_dma2 semaphore(%run_scoped3A : memref<!tpu.dma_semaphore, #tpu.memory_space<semaphore_mem>>) src(%arg6 : memref<512x16xf32, #tpu.memory_space<vmem>>) dst(%dma_wait3A_34 : memref<512x16xf32, #tpu.memory_space<hbm>>)
      tpu.yield
    }) : () -> ()
    return
  }
}

#map = affine_map<(d0, d1) -> (0)>
#map1 = affine_map<(d0, d1) -> (0, 0)>
module attributes {stable_mosaic.version = 14 : i64} {
  func.func @sc_router(%arg0: i32, %arg1: i32, %arg2: memref<524288xf32, #tpu.memory_space<hbm>>, %arg3: memref<16xi32, #tpu.memory_space<hbm>>, %arg4: memref<16384x16xf32, #tpu.memory_space<hbm>>, %arg5: memref<8192xf32, #tpu.memory_space<vmem>>, %arg6: memref<512x16xf32, #tpu.memory_space<vmem>>, %arg7: memref<16xi32, #tpu.memory_space<vmem>>) attributes {dimension_semantics = [#tpu.dimension_semantics<core_parallel>, #tpu.dimension_semantics<subcore_parallel>], iteration_bounds = array<i64: 2, 16>, scalar_prefetch = 0 : i64, scratch_operands = 3 : i64, tpu.core_type = #tpu.core_type<sc_vector_subcore>, window_params = [{transform_indices = #map}, {transform_indices = #map}, {transform_indices = #map1}]} {
    %mul3A = arith.constant 2 : i32
    %mul3A_0 = arith.muli %arg1, %mul3A : i32
    %add3A = arith.addi %mul3A_0, %arg0 : i32
    %mul3A_1 = arith.constant 512 : i32
    %mul3A_2 = arith.muli %add3A, %mul3A_1 : i32
    %mul3A_3 = arith.constant 16 : i32
    %mul3A_4 = arith.muli %mul3A_2, %mul3A_3 : i32
    %add3A_5 = arith.constant 0 : i32
    %add3A_6 = arith.addi %add3A_5, %mul3A_4 : i32
    "tpu.region"() ({
      %run_scoped3A = tpu.sem_alloc : memref<!tpu.dma_semaphore, #tpu.memory_space<semaphore_mem>>
      %dma_start3A = tpu.memref_slice %arg2[%add3A_6] : memref<524288xf32, #tpu.memory_space<hbm>> -> memref<8192xf32, #tpu.memory_space<hbm>>
      %dma_start3A_29 = tpu.memref_slice %arg2[%add3A_6] : memref<524288xf32, #tpu.memory_space<hbm>> -> memref<8192xf32, #tpu.memory_space<hbm>>
      tpu.enqueue_dma source(%dma_start3A_29 : memref<8192xf32, #tpu.memory_space<hbm>>) target(%arg5 : memref<8192xf32, #tpu.memory_space<vmem>>) target_semaphore(%run_scoped3A : memref<!tpu.dma_semaphore, #tpu.memory_space<semaphore_mem>>)
      %dma_wait3A = tpu.memref_slice %arg2[%add3A_6] : memref<524288xf32, #tpu.memory_space<hbm>> -> memref<8192xf32, #tpu.memory_space<hbm>>
      %dma_wait3A_30 = tpu.memref_slice %arg2[%add3A_6] : memref<524288xf32, #tpu.memory_space<hbm>> -> memref<8192xf32, #tpu.memory_space<hbm>>
      tpu.wait_dma2 semaphore(%run_scoped3A : memref<!tpu.dma_semaphore, #tpu.memory_space<semaphore_mem>>) src(%dma_wait3A_30 : memref<8192xf32, #tpu.memory_space<hbm>>) dst(%arg5 : memref<8192xf32, #tpu.memory_space<vmem>>)
      tpu.yield
    }) : () -> ()
    "tpu.region"() ({
      %run_scoped3A = tpu.sem_alloc : memref<!tpu.dma_semaphore, #tpu.memory_space<semaphore_mem>>
      tpu.enqueue_dma source(%arg3 : memref<16xi32, #tpu.memory_space<hbm>>) target(%arg7 : memref<16xi32, #tpu.memory_space<vmem>>) target_semaphore(%run_scoped3A : memref<!tpu.dma_semaphore, #tpu.memory_space<semaphore_mem>>)
      tpu.wait_dma2 semaphore(%run_scoped3A : memref<!tpu.dma_semaphore, #tpu.memory_space<semaphore_mem>>) src(%arg3 : memref<16xi32, #tpu.memory_space<hbm>>) dst(%arg7 : memref<16xi32, #tpu.memory_space<vmem>>)
      tpu.yield
    }) : () -> ()
    %iota3A = tpu.iota {dimensions = array<i32: 0>} : vector<16xi32>
    %get3A = arith.constant 0 : index
    %get3A_7 = tpu.vector_load %arg7[%get3A] {strides = array<i32>} : memref<16xi32, #tpu.memory_space<vmem>>, vector<16xi32>,
    %ne3A = arith.constant 0 : i32
    %ne3A_8 = vector.broadcast %ne3A : i32 to vector<16xi32>
    %ne3A_9 = arith.cmpi ne, %get3A_7, %ne3A_8 : vector<16xi32>
    %lt3A = arith.constant 10 : i32
    %lt3A_10 = vector.broadcast %lt3A : i32 to vector<16xi32>
    %lt3A_11 = arith.cmpi slt, %iota3A, %lt3A_10 : vector<16xi32>
    %xor3A = arith.constant 1 : i32
    %xor3A_12 = vector.broadcast %xor3A : i32 to vector<16xi32>
    %xor3A_13 = arith.xori %iota3A, %xor3A_12 : vector<16xi32>
    %xor3A_14 = arith.constant 2 : i32
    %xor3A_15 = vector.broadcast %xor3A_14 : i32 to vector<16xi32>
    %xor3A_16 = arith.xori %iota3A, %xor3A_15 : vector<16xi32>
    %add3A_17 = arith.constant 16 : i32
    %add3A_18 = vector.broadcast %add3A_17 : i32 to vector<16xi32>
    %add3A_19 = arith.addi %iota3A, %add3A_18 : vector<16xi32>
    %sub3A = arith.constant 10 : i32
    %sub3A_20 = vector.broadcast %sub3A : i32 to vector<16xi32>
    %sub3A_21 = arith.subi %add3A_19, %sub3A_20 : vector<16xi32>
    %and3A = arith.constant 15 : i32
    %and3A_22 = vector.broadcast %and3A : i32 to vector<16xi32>
    %and3A_23 = arith.andi %sub3A_21, %and3A_22 : vector<16xi32>
    %broadcast_in_dim3A = arith.constant 0.000000e+00 : f32
    %broadcast_in_dim3A_24 = vector.broadcast %broadcast_in_dim3A : f32 to vector<16xf32>
    %parallel_loop3A = arith.constant 0 : i32
    %parallel_loop3A_25 = arith.constant 512 : i32
    %parallel_loop3A_26 = arith.constant 1 : i32
    scf.for %parallel_loop3A_29 = %parallel_loop3A to %parallel_loop3A_25 step %parallel_loop3A_26  : i32 {
      %parallel_loop3A_30 = arith.constant 16 : i32
      %parallel_loop3A_31 = arith.muli %parallel_loop3A_29, %parallel_loop3A_30 : i32
      %parallel_loop3A_32 = arith.index_cast %parallel_loop3A_31 : i32 to index
      %parallel_loop3A_33 = tpu.vector_load %arg5[%parallel_loop3A_32] {strides = array<i32>} : memref<8192xf32, #tpu.memory_space<vmem>>, vector<16xf32>,
      %parallel_loop3A_34 = arith.constant -1.000000e+00 : f32
      %parallel_loop3A_35 = vector.broadcast %parallel_loop3A_34 : f32 to vector<16xf32>
      %parallel_loop3A_36 = arith.select %lt3A_11, %parallel_loop3A_33, %parallel_loop3A_35 : vector<16xi1>, vector<16xf32>
      %parallel_loop3A_37 = arith.constant dense<true> : vector<16xi1>
      %parallel_loop3A_38, %parallel_loop3A_39, %parallel_loop3A_40 = tpu.sort %parallel_loop3A_36, %iota3A masked %parallel_loop3A_37 {descending = true} : (vector<16xf32>, vector<16xi32>, vector<16xi1>) -> (vector<16xi1>, vector<16xf32>, vector<16xi32>)
      %parallel_loop3A_41 = arith.constant 0.000000e+00 : f32
      %parallel_loop3A_42 = vector.broadcast %parallel_loop3A_41 : f32 to vector<16xf32>
      %parallel_loop3A_43 = arith.select %ne3A_9, %parallel_loop3A_39, %parallel_loop3A_42 : vector<16xi1>, vector<16xf32>
      %parallel_loop3A_44 = arith.constant 0 : i32
      %parallel_loop3A_45 = vector.broadcast %parallel_loop3A_44 : i32 to vector<16xi32>
      %parallel_loop3A_46 = arith.cmpi slt, %xor3A_13, %parallel_loop3A_45 : vector<16xi32>
      %parallel_loop3A_47 = arith.constant 16 : i32
      %parallel_loop3A_48 = vector.broadcast %parallel_loop3A_47 : i32 to vector<16xi32>
      %parallel_loop3A_49 = arith.addi %xor3A_13, %parallel_loop3A_48 : vector<16xi32>
      %parallel_loop3A_50 = arith.select %parallel_loop3A_46, %parallel_loop3A_49, %xor3A_13 : vector<16xi1>, vector<16xi32>
      %parallel_loop3A_51 = vector.shape_cast %parallel_loop3A_50 : vector<16xi32> to vector<16x1xi32>
      %parallel_loop3A_52 = vector.shape_cast %parallel_loop3A_51 : vector<16x1xi32> to vector<16xi32>
      %parallel_loop3A_53 = tpu.dynamic_gather %parallel_loop3A_43[%parallel_loop3A_52] in [0] : vector<16xf32>, vector<16xi32> -> vector<16xf32>
      %parallel_loop3A_54 = arith.addf %parallel_loop3A_43, %parallel_loop3A_53 : vector<16xf32>
      %parallel_loop3A_55 = arith.constant 0 : i32
      %parallel_loop3A_56 = vector.broadcast %parallel_loop3A_55 : i32 to vector<16xi32>
      %parallel_loop3A_57 = arith.cmpi slt, %xor3A_16, %parallel_loop3A_56 : vector<16xi32>
      %parallel_loop3A_58 = arith.constant 16 : i32
      %parallel_loop3A_59 = vector.broadcast %parallel_loop3A_58 : i32 to vector<16xi32>
      %parallel_loop3A_60 = arith.addi %xor3A_16, %parallel_loop3A_59 : vector<16xi32>
      %parallel_loop3A_61 = arith.select %parallel_loop3A_57, %parallel_loop3A_60, %xor3A_16 : vector<16xi1>, vector<16xi32>
      %parallel_loop3A_62 = vector.shape_cast %parallel_loop3A_61 : vector<16xi32> to vector<16x1xi32>
      %parallel_loop3A_63 = vector.shape_cast %parallel_loop3A_62 : vector<16x1xi32> to vector<16xi32>
      %parallel_loop3A_64 = tpu.dynamic_gather %parallel_loop3A_54[%parallel_loop3A_63] in [0] : vector<16xf32>, vector<16xi32> -> vector<16xf32>
      %parallel_loop3A_65 = arith.addf %parallel_loop3A_54, %parallel_loop3A_64 : vector<16xf32>
      %parallel_loop3A_66 = arith.divf %parallel_loop3A_43, %parallel_loop3A_65 : vector<16xf32>
      %parallel_loop3A_67 = arith.constant 0 : i32
      %parallel_loop3A_68 = vector.broadcast %parallel_loop3A_67 : i32 to vector<16xi32>
      %parallel_loop3A_69 = arith.cmpi slt, %and3A_23, %parallel_loop3A_68 : vector<16xi32>
      %parallel_loop3A_70 = arith.constant 16 : i32
      %parallel_loop3A_71 = vector.broadcast %parallel_loop3A_70 : i32 to vector<16xi32>
      %parallel_loop3A_72 = arith.addi %and3A_23, %parallel_loop3A_71 : vector<16xi32>
      %parallel_loop3A_73 = arith.select %parallel_loop3A_69, %parallel_loop3A_72, %and3A_23 : vector<16xi1>, vector<16xi32>
      %parallel_loop3A_74 = vector.shape_cast %parallel_loop3A_73 : vector<16xi32> to vector<16x1xi32>
      %parallel_loop3A_75 = vector.shape_cast %parallel_loop3A_74 : vector<16x1xi32> to vector<16xi32>
      %parallel_loop3A_76 = tpu.dynamic_gather %parallel_loop3A_40[%parallel_loop3A_75] in [0] : vector<16xi32>, vector<16xi32> -> vector<16xi32>
      %parallel_loop3A_77 = vector.bitcast %parallel_loop3A_76 : vector<16xi32> to vector<16xf32>
      %parallel_loop3A_78 = arith.constant 13 : i32
      %parallel_loop3A_79 = vector.broadcast %parallel_loop3A_78 : i32 to vector<16xi32>
      %parallel_loop3A_80 = arith.cmpi slt, %iota3A, %parallel_loop3A_79 : vector<16xi32>
      %parallel_loop3A_81 = arith.select %parallel_loop3A_80, %parallel_loop3A_77, %broadcast_in_dim3A_24 : vector<16xi1>, vector<16xf32>
      %parallel_loop3A_82 = arith.select %lt3A_11, %broadcast_in_dim3A_24, %parallel_loop3A_81 : vector<16xi1>, vector<16xf32>
      %parallel_loop3A_83 = arith.index_cast %parallel_loop3A_29 : i32 to index
      %parallel_loop3A_84 = arith.constant 0 : index
      %parallel_loop3A_85 = tpu.vector_load %arg6[%parallel_loop3A_83, %parallel_loop3A_84] {strides = array<i32>} : memref<512x16xf32, #tpu.memory_space<vmem>>, vector<16xf32>,
      tpu.vector_store %arg6[%parallel_loop3A_83, %parallel_loop3A_84], %parallel_loop3A_82 {strides = array<i32>} : memref<512x16xf32, #tpu.memory_space<vmem>>, vector<16xf32>,
      %parallel_loop3A_86 = vector.broadcast %parallel_loop3A_29 : i32 to vector<16xi32>
      tpu.vector_store_idx %arg6[%parallel_loop3A_86, %parallel_loop3A_40], %parallel_loop3A_66 masked %ne3A_9 : memref<512x16xf32, #tpu.memory_space<vmem>>[vector<16xi32>, vector<16xi32>], vector<16xf32>, vector<16xi1>
    } {sc.loop_unroll_factor = 4 : i64, sc.parallel_access}
    %mul3A_27 = arith.constant 512 : i32
    %mul3A_28 = arith.muli %add3A, %mul3A_27 : i32
    "tpu.region"() ({
      %run_scoped3A = tpu.sem_alloc : memref<!tpu.dma_semaphore, #tpu.memory_space<semaphore_mem>>
      %dma_start3A = arith.constant 0 : i32
      %dma_start3A_29 = tpu.memref_slice %arg4[%mul3A_28, %dma_start3A] : memref<16384x16xf32, #tpu.memory_space<hbm>> -> memref<512x16xf32, #tpu.memory_space<hbm>>
      %dma_start3A_30 = arith.constant 0 : i32
      %dma_start3A_31 = tpu.memref_slice %arg4[%mul3A_28, %dma_start3A_30] : memref<16384x16xf32, #tpu.memory_space<hbm>> -> memref<512x16xf32, #tpu.memory_space<hbm>>
      tpu.enqueue_dma source(%arg6 : memref<512x16xf32, #tpu.memory_space<vmem>>) target(%dma_start3A_31 : memref<512x16xf32, #tpu.memory_space<hbm>>) target_semaphore(%run_scoped3A : memref<!tpu.dma_semaphore, #tpu.memory_space<semaphore_mem>>)
      %dma_wait3A = arith.constant 0 : i32
      %dma_wait3A_32 = tpu.memref_slice %arg4[%mul3A_28, %dma_wait3A] : memref<16384x16xf32, #tpu.memory_space<hbm>> -> memref<512x16xf32, #tpu.memory_space<hbm>>
      %dma_wait3A_33 = arith.constant 0 : i32
      %dma_wait3A_34 = tpu.memref_slice %arg4[%mul3A_28, %dma_wait3A_33] : memref<16384x16xf32, #tpu.memory_space<hbm>> -> memref<512x16xf32, #tpu.memory_space<hbm>>
      tpu.wait_dma2 semaphore(%run_scoped3A : memref<!tpu.dma_semaphore, #tpu.memory_space<semaphore_mem>>) src(%arg6 : memref<512x16xf32, #tpu.memory_space<vmem>>) dst(%dma_wait3A_34 : memref<512x16xf32, #tpu.memory_space<hbm>>)
      tpu.yield
    }) : () -> ()
    return
  }
}

module attributes {stable_mosaic.version = 14 : i64} {
  func.func @_gating_body(%arg0: i32, %arg1: memref<2048x768xf32, #tpu.memory_space<vmem>>, %arg2: memref<768x32xf32, #tpu.memory_space<vmem>>, %arg3: memref<1x32xf32, #tpu.memory_space<vmem>>, %arg4: memref<2048x16xf32, #tpu.memory_space<vmem>>, %arg5: memref<2048x10xf32, #tpu.memory_space<vmem>>, %arg6: memref<2048x10xf32, #tpu.memory_space<vmem>>, %arg7: memref<2048x16xf32, #tpu.memory_space<vmem>>) attributes {dimension_semantics = [#tpu.dimension_semantics<arbitrary>], iteration_bounds = array<i64: 16>, scalar_prefetch = 0 : i64, scratch_operands = 0 : i64, tpu.core_type = #tpu.core_type<tc>, window_params = [{transform_indices = @transform_0, window_bounds = array<i64: 2048, 768>}, {pipeline_mode = #tpu.pipeline_mode<synchronous>, transform_indices = @transform_1, window_bounds = array<i64: 768, 32>}, {pipeline_mode = #tpu.pipeline_mode<synchronous>, transform_indices = @transform_2, window_bounds = array<i64: 1, 32>}, {transform_indices = @transform_3, window_bounds = array<i64: 2048, 16>}, {transform_indices = @transform_4, window_bounds = array<i64: 2048, 10>}, {transform_indices = @transform_5, window_bounds = array<i64: 2048, 10>}, {transform_indices = @transform_6, window_bounds = array<i64: 2048, 16>}]} {
    %get3A = arith.constant 0 : index
    %get3A_0 = arith.constant 0 : index
    %get3A_1 = vector.load %arg1[%get3A, %get3A_0] : memref<2048x768xf32, #tpu.memory_space<vmem>>, vector<2048x768xf32>
    %get3A_2 = arith.constant 0 : index
    %get3A_3 = arith.constant 0 : index
    %get3A_4 = vector.load %arg2[%get3A_2, %get3A_3] : memref<768x32xf32, #tpu.memory_space<vmem>>, vector<768x32xf32>
    %dot_general3A = arith.constant dense<0.000000e+00> : vector<2048x32xf32>
    %dot_general3A_5 = tpu.matmul %get3A_1, %get3A_4, %dot_general3A {dimension_numbers = #tpu.dot_dimension_numbers<[1], [0], [0], [1], [0, 0, 1, 1], [], []>, transpose_lhs_hint = false} : vector<2048x768xf32>, vector<768x32xf32>, vector<2048x32xf32> -> vector<2048x32xf32>
    %get3A_6 = arith.constant 0 : index
    %get3A_7 = arith.constant 0 : index
    %get3A_8 = vector.load %arg3[%get3A_6, %get3A_7] : memref<1x32xf32, #tpu.memory_space<vmem>>, vector<1x32xf32>
    %add3A = vector.broadcast %get3A_8 : vector<1x32xf32> to vector<2048x32xf32>
    %add3A_9 = arith.addf %dot_general3A_5, %add3A : vector<2048x32xf32>
    %slice3A = vector.extract_strided_slice %add3A_9 {offsets = [0, 16], sizes = [2048, 16], strides = [1, 1]} : vector<2048x32xf32> to vector<2048x16xf32>
    %custom_jvp_call3A = arith.constant 0.000000e+00 : f32
    %max3A = vector.broadcast %custom_jvp_call3A : f32 to vector<2048x16xf32>
    %max3A_10 = arith.maximumf %slice3A, %max3A : vector<2048x16xf32>
    %sub3A = vector.broadcast %custom_jvp_call3A : f32 to vector<2048x16xf32>
    %sub3A_11 = arith.subf %slice3A, %sub3A : vector<2048x16xf32>
    %ne3A = arith.cmpf one, %sub3A_11, %sub3A_11 : vector<2048x16xf32>
    %add3A_12 = vector.broadcast %custom_jvp_call3A : f32 to vector<2048x16xf32>
    %add3A_13 = arith.addf %slice3A, %add3A_12 : vector<2048x16xf32>
    %abs3A = math.absf %sub3A_11 : vector<2048x16xf32>
    %neg3A = arith.constant 0.000000e+00 : f32
    %neg3A_14 = vector.broadcast %neg3A : f32 to vector<2048x16xf32>
    %neg3A_15 = arith.subf %neg3A_14, %abs3A : vector<2048x16xf32>
    %exp3A = math.exp %neg3A_15 : vector<2048x16xf32>
    %log1p3A = math.log1p %exp3A : vector<2048x16xf32>
    %add3A_16 = arith.addf %max3A_10, %log1p3A : vector<2048x16xf32>
    %select_n3A = arith.select %ne3A, %add3A_13, %add3A_16 : vector<2048x16xi1>, vector<2048x16xf32>
    %slice3A_17 = vector.extract_strided_slice %add3A_9 {offsets = [0, 0], sizes = [2048, 16], strides = [1, 1]} : vector<2048x32xf32> to vector<2048x16xf32>
    %get3A_18 = arith.constant 0 : index
    %get3A_19 = arith.constant 0 : index
    %get3A_20 = vector.load %arg4[%get3A_18, %get3A_19] : memref<2048x16xf32, #tpu.memory_space<vmem>>, vector<2048x16xf32>
    %mul3A = arith.mulf %get3A_20, %select_n3A : vector<2048x16xf32>
    %add3A_21 = arith.addf %slice3A_17, %mul3A : vector<2048x16xf32>
    %slice3A_22 = vector.extract_strided_slice %add3A_21 {offsets = [0, 0], sizes = [2048, 10], strides = [1, 1]} : vector<2048x16xf32> to vector<2048x10xf32>
    %swap3A = arith.constant 0 : index
    %swap3A_23 = arith.constant 0 : index
    %swap3A_24 = vector.load %arg5[%swap3A, %swap3A_23] : memref<2048x10xf32, #tpu.memory_space<vmem>>, vector<2048x10xf32>
    tpu.vector_store %arg5[%swap3A, %swap3A_23], %slice3A_22 {strides = array<i32>} : memref<2048x10xf32, #tpu.memory_space<vmem>>, vector<2048x10xf32>,
    %reduce_max3A = arith.constant dense<0xFF800000> : vector<2048xf32>
    %reduce_max3A_25 = vector.multi_reduction <maximumf>, %add3A_21, %reduce_max3A [1] : vector<2048x16xf32> to vector<2048xf32>
    %broadcast_in_dim3A = vector.shape_cast %reduce_max3A_25 : vector<2048xf32> to vector<2048x1xf32>
    %sub3A_26 = vector.broadcast %broadcast_in_dim3A : vector<2048x1xf32> to vector<2048x16xf32>
    %sub3A_27 = arith.subf %add3A_21, %sub3A_26 : vector<2048x16xf32>
    %exp3A_28 = math.exp %sub3A_27 : vector<2048x16xf32>
    %reduce_sum3A = arith.constant dense<0.000000e+00> : vector<2048xf32>
    %reduce_sum3A_29 = vector.multi_reduction <add>, %exp3A_28, %reduce_sum3A [1] : vector<2048x16xf32> to vector<2048xf32>
    %broadcast_in_dim3A_30 = vector.shape_cast %reduce_sum3A_29 : vector<2048xf32> to vector<2048x1xf32>
    %div3A = vector.broadcast %broadcast_in_dim3A_30 : vector<2048x1xf32> to vector<2048x16xf32>
    %div3A_31 = arith.divf %exp3A_28, %div3A : vector<2048x16xf32>
    %slice3A_32 = vector.extract_strided_slice %div3A_31 {offsets = [0, 0], sizes = [2048, 10], strides = [1, 1]} : vector<2048x16xf32> to vector<2048x10xf32>
    %swap3A_33 = arith.constant 0 : index
    %swap3A_34 = arith.constant 0 : index
    %swap3A_35 = vector.load %arg6[%swap3A_33, %swap3A_34] : memref<2048x10xf32, #tpu.memory_space<vmem>>, vector<2048x10xf32>
    tpu.vector_store %arg6[%swap3A_33, %swap3A_34], %slice3A_32 {strides = array<i32>} : memref<2048x10xf32, #tpu.memory_space<vmem>>, vector<2048x10xf32>,
    %swap3A_36 = arith.constant 0 : index
    %swap3A_37 = arith.constant 0 : index
    %swap3A_38 = vector.load %arg7[%swap3A_36, %swap3A_37] : memref<2048x16xf32, #tpu.memory_space<vmem>>, vector<2048x16xf32>
    tpu.vector_store %arg7[%swap3A_36, %swap3A_37], %div3A_31 {strides = array<i32>} : memref<2048x16xf32, #tpu.memory_space<vmem>>, vector<2048x16xf32>,
    return
  }
  func.func @transform_0(%arg0: i32) -> (i32, i32) {
    %c0_i32 = arith.constant 0 : i32
    %c0_i32_0 = arith.constant 0 : i32
    return %arg0, %c0_i32 : i32, i32
  }
  func.func @transform_1(%arg0: i32) -> (i32, i32) {
    %c0_i32 = arith.constant 0 : i32
    %c0_i32_0 = arith.constant 0 : i32
    %c0_i32_1 = arith.constant 0 : i32
    return %c0_i32, %c0_i32_0 : i32, i32
  }
  func.func @transform_2(%arg0: i32) -> (i32, i32) {
    %c0_i32 = arith.constant 0 : i32
    %c0_i32_0 = arith.constant 0 : i32
    %c0_i32_1 = arith.constant 0 : i32
    return %c0_i32, %c0_i32_0 : i32, i32
  }
  func.func @transform_3(%arg0: i32) -> (i32, i32) {
    %c0_i32 = arith.constant 0 : i32
    %c0_i32_0 = arith.constant 0 : i32
    return %arg0, %c0_i32 : i32, i32
  }
  func.func @transform_4(%arg0: i32) -> (i32, i32) {
    %c0_i32 = arith.constant 0 : i32
    %c0_i32_0 = arith.constant 0 : i32
    return %arg0, %c0_i32 : i32, i32
  }
  func.func @transform_5(%arg0: i32) -> (i32, i32) {
    %c0_i32 = arith.constant 0 : i32
    %c0_i32_0 = arith.constant 0 : i32
    return %arg0, %c0_i32 : i32, i32
  }
  func.func @transform_6(%arg0: i32) -> (i32, i32) {
    %c0_i32 = arith.constant 0 : i32
    %c0_i32_0 = arith.constant 0 : i32
    return %arg0, %c0_i32 : i32, i32
  }
}

</mosaic_0001>

<sc_bundles>
// kernel: kernel.5.cloned.1.call-start
scs
__scs_entry_jumppad:
0x0: {  	(pc) =	sbr.rel $0x88, $3  }
0x1: {  	(tag) =	ssettag $0x0;
	lr =	simm.s32 $0x1  }
0x2: {  	[smem:$0x3F9A] =	sst lr;
	_ =	strace $0xD0000000  }
0x3: {  	_ = 	snop  }
0x4: {  	_ = 	snop  }
0x5: {  	_ = 	snop  }
0x6: {  	_ = 	snop  }
0x7: {  	_ = 	snop  }
__scs_overlays_trampoline_lowered:
0x8: {  	[smem:$0x3FA9] =	sst s0  }
0x9: {  	[smem:$0x3FAA] =	sst s1  }
0xa: {  	[smem:$0x3FAB] =	sst s2  }
0xb: {  	[smem:$0x3FAC] =	sst s3  }
0xc: {  	[smem:$0x3FAD] =	sst s4  }
0xd: {  	[smem:$0x3FAE] =	sst s5  }
0xe: {  	[smem:$0x3FAF] =	sst s6  }
0xf: {  	[smem:$0x3FB0] =	sst s7  }
0x10: {  	[smem:$0x3FB1] =	sst s8  }
0x11: {  	[smem:$0x3FB2] =	sst s9;
	s0 =	simm.s32 @!p0 $0x0  }
0x12: {  	s1 =	sld [smem:$0x3F98];
	s0 =	simm.s32 @p0 $0x1  }
0x13: {  	[smem:$0x3FB3] =	sst s0;
	s0 =	simm.s32 @!p1 $0x0  }
0x14: {  	s2 =	sld [smem:$0x3F97];
	s0 =	simm.s32 @p1 $0x1  }
0x15: {  	[smem:$0x3FB4] =	sst s0;
	s0 =	simm.s32 @!p2 $0x0  }
0x16: {  	s3 =	sld [smem:$0x3FDB];
	s0 =	simm.s32 @p2 $0x1  }
0x17: {  	s4 =	simm.s32 $0x1BF5;
	[smem:$0x3FB6] =	sst s0  }
0x18: {  	s0 =	sld [smem:$0x3F99];
	_ =	swait.ge [sflag:s4], $0x0  }
0x19: {  	s7 =	sld [smem:$0x3F9A]  }
0x1a: {  	s8 =	sadd.s32 $0xFFFFE003, lr  }
0x1b: {  	s9 =	sadd.s32 $0xFFFFFEF7, lr;
	s5 =	simm.s32 $0xFFFFFFFF;
	p2 =	slt.u32 s8, $0xFFFFF086  }
0x1c: {  	p1 =	slt.u32 s9, $0xF7A;
	s5 =	simm.s32 @!p2 $0x0  }
0x1d: {  	s5 =	simm.s32 @p1 $0x1;
	p0 =	seq.s32 s7, s2  }
0x1e: {  	s7 =	smul.u32 @!p0 $0xF7A, s2;
	p2 =	seq.s32 @!p0 s5, $0x0  }
0x1f: {  	s9 =	smul.u32 $0xF7A, s1;
	s8 =	simm.s32 @!p0 $0x1BF5;
	p2 =	por !p2, p0  }
0x20: {  	[sflag:s8] =	ssyncset.s32 @!p0 $0xFFFFF086;
	s6 =	sadd.s32 @!p0 s3, s7;
	s7 =	simm.s32 @!p0 $0x108  }
0x21: {  	s3 =	sadd.s32 s3, s9;
	s6 =	sadd.s32 @!p0 $0x88, s6;
	s7 =	simm.s32 @p2 $0x1082  }
0x22: {  	[simem:s7], [sflag:s8] =	dma.local @!p0 [hbm:s6], $0xF7A  }
0x23: {  	s9 =	sor.u32 $0xD0000000, s2;
	s6 =	simm.s32 $0x108;
	_ =	swait.ge @!p0 [sflag:s8], $0x0  }
0x24: {  	s3 =	sadd.s32 $0x88, s3;
	s6 =	simm.s32 @!p1 $0x1082;
	[sflag:s4] =	ssyncset.s32 $0xFFFFF086  }
0x25: {  	[simem:s6], [sflag:s4] =	dma.local [hbm:s3], $0xF7A  }
0x26: {  	[smem:$0x3F9A] =	sst s1;
	(tag) =	ssettag s2;
	_ =	strace s9  }
0x27: {  	s1 =	sld [smem:$0x3FAA]  }
0x28: {  	s2 =	sld [smem:$0x3FAB]  }
0x29: {  	s4 =	sld [smem:$0x3FAD]  }
0x2a: {  	p0 =	seq.s32 s5, $0x0;
	s5 =	sld [smem:$0x3FAE]  }
0x2b: {  	s6 =	sld [smem:$0x3FAF]  }
0x2c: {  	s7 =	sld [smem:$0x3FB0]  }
0x2d: {  	s3 =	simm.s32 $0x108;
	s8 =	sld [smem:$0x3FB1]  }
0x2e: {  	s3 =	simm.s32 @!p0 $0x1082;
	s9 =	sld [smem:$0x3FB2]  }
0x2f: {  	lr =	sadd.s32 s0, s3;
	s0 =	sld [smem:$0x3FA9]  }
0x30: {  	s3 =	sld [smem:$0x3FAC]  }
0x31: {  	[smem:$0x3FB5] =	sst s10  }
0x32: {  	s10 =	sld [smem:$0x3FB3];
	_ =	sdelay $0x3  }
0x33: {  	p0 =	seq.s32 s10, $0x1;
	s10 =	sld [smem:$0x3FB5];
	_ =	sdelay $0x3  }
0x34: {  	[smem:$0x3FB5] =	sst s10  }
0x35: {  	s10 =	sld [smem:$0x3FB4];
	_ =	sdelay $0x3  }
0x36: {  	p1 =	seq.s32 s10, $0x1;
	s10 =	sld [smem:$0x3FB5];
	_ =	sdelay $0x3  }
0x37: {  	[smem:$0x3FB5] =	sst s10  }
0x38: {  	s10 =	sld [smem:$0x3FB6]  }
0x39: {  	_ = 	snop;
	(pc) =	sbr.ind lr, $3  }
0x3a: {  	_ = 	snop  }
0x3b: {  	_ = 	snop  }
0x3c: {  	p2 =	seq.s32 s10, $0x1;
	s10 =	sld [smem:$0x3FB5]  }
0x3d: {  	_ =	shalt  }
0x3e: {  	_ =	shalt  }
0x3f: {  	_ =	shalt  }
0x40: {  	_ =	shalt  }
0x41: {  	_ =	shalt  }
0x42: {  	_ =	shalt  }
0x43: {  	_ =	shalt  }
0x44: {  	_ =	shalt  }
0x45: {  	_ =	shalt  }
0x46: {  	_ =	shalt  }
0x47: {  	_ =	shalt  }
0x48: {  	_ =	shalt  }
0x49: {  	_ =	shalt  }
0x4a: {  	_ =	shalt  }
0x4b: {  	_ =	shalt  }
0x4c: {  	_ =	shalt  }
0x4d: {  	_ =	shalt  }
0x4e: {  	_ =	shalt  }
0x4f: {  	_ =	shalt  }
0x50: {  	_ =	shalt  }
0x51: {  	_ =	shalt  }
0x52: {  	_ =	shalt  }
0x53: {  	_ =	shalt  }
0x54: {  	_ =	shalt  }
0x55: {  	_ =	shalt  }
0x56: {  	_ =	shalt  }
0x57: {  	_ =	shalt  }
0x58: {  	_ =	shalt  }
0x59: {  	_ =	shalt  }
0x5a: {  	_ =	shalt  }
0x5b: {  	_ =	shalt  }
0x5c: {  	_ =	shalt  }
0x5d: {  	_ =	shalt  }
0x5e: {  	_ =	shalt  }
0x5f: {  	_ =	shalt  }
0x60: {  	_ =	shalt  }
0x61: {  	_ =	shalt  }
0x62: {  	_ =	shalt  }
0x63: {  	_ =	shalt  }
0x64: {  	_ =	shalt  }
0x65: {  	_ =	shalt  }
0x66: {  	_ =	shalt  }
0x67: {  	_ =	shalt  }
0x68: {  	_ =	shalt  }
0x69: {  	_ =	shalt  }
0x6a: {  	_ =	shalt  }
0x6b: {  	_ =	shalt  }
0x6c: {  	_ =	shalt  }
0x6d: {  	_ =	shalt  }
0x6e: {  	_ =	shalt  }
0x6f: {  	_ =	shalt  }
0x70: {  	_ =	shalt  }
0x71: {  	_ =	shalt  }
0x72: {  	_ =	shalt  }
0x73: {  	_ =	shalt  }
0x74: {  	_ =	shalt  }
0x75: {  	_ =	shalt  }
0x76: {  	_ =	shalt  }
0x77: {  	_ =	shalt  }
0x78: {  	_ =	shalt  }
0x79: {  	_ =	shalt  }
0x7a: {  	_ =	shalt  }
0x7b: {  	_ =	shalt  }
0x7c: {  	_ =	shalt  }
0x7d: {  	_ =	shalt  }
0x7e: {  	_ =	shalt  }
0x7f: {  	_ =	shalt  }
0x80: {  	_ =	shalt  }
0x81: {  	_ =	shalt  }
0x82: {  	_ =	shalt  }
0x83: {  	_ =	shalt  }
0x84: {  	_ =	shalt  }
0x85: {  	_ =	shalt  }
0x86: {  	_ =	shalt  }
0x87: {  	_ =	shalt  }
.Lfunc_end0:
.L_simem_size_0:
called_computation_lowered:
.L_overlay_start_0:
0x88: {  	s2 =	sld [smem:$0x3FD9]  }
0x89: {  	s3 =	sld [smem:$0x3FFE];
	_ =	sdelay $0x1  }
0x8a: {  	s1 =	srdreg.scid  }
0x8b: {  	s0 =	sand.u32 $0x1, s1  }
0x8c: {  	s14 =	sshll.u32 s0, $0xA;
	s2 =	sadd.s32 s3, s2  }
0x8d: {  	s2 =	sadd.s32 s2, s14  }
0x8e: {  	[smem:$0x3FC1] =	sst s2  }
0x8f: {  	_ = 	snop  }
0x90: {  	s2 =	sld [smem:$0x3FD0];
	_ =	sdelay $0x2  }
0x91: {  	s15 =	simm.s32 $0xB;
	s4 =	simm.s32 $0x10  }
0x92: {  	[smem:s4], [sflag:s15] =	dma.local [hbm:s2], $0x1  }
0x93: {  	_ =	swait.eq [sflag:s15], $0x1  }
0x94: {  	[sflag:s15] =	ssyncset.done $0x0  }
0x95: {  	s16 =	sld [smem:$0x10];
	[sflag:s15] =	ssyncadd.s32 $0xFFFFFFFF  }
0x96: {  	s17 =	sld [smem:$0x13];
	(tm) =	ssettm $0x1  }
0x97: {  	s18 =	sld [smem:$0x3FFB];
	_ =	sdelay $0x3  }
0x98: {  	_ =	strace s18  }
0x99: {  	s4 =	sld [smem:$0x3FFC];
	_ =	sdelay $0x3  }
0x9a: {  	_ =	strace s4  }
0x9b: {  	s4 =	sld [smem:$0x3FFD];
	_ =	sdelay $0x3  }
0x9c: {  	_ =	strace s4  }
0x9d: {  	_ =	strace $0x8FFFFFFF  }
0x9e: {  	s19 =	sld [smem:$0x3FDB];
	_ =	sdelay $0x1  }
0x9f: {  	s5 =	simm.s32 $_scs_section_size  }
0xa0: {  	s6 =	simm.s32 $_size__tile_overlayer_lowered;
	s7 =	simm.s32 $_tile_overlayer_lowered  }
0xa1: {  	s22 =	simm.s32 $0x1BFF;
	s21 =	sshll.u32 s7, $0x1;
	s4 =	sadd.s32 s5, s19  }
0xa2: {  	s8 =	simm.s32 $0x0;
	s20 =	sshll.u32 s6, $0x1;
	s6 =	sadd.s32 s21, s4  }
0xa3: {  	[timem:s8], [sflag:s22] =	dma.local [hbm:s6], s20  }
0xa4: {  	_ =	swait.ge [sflag:s22], s20  }
0xa5: {  	s5 =	ssub.s32 $0x0, s20;
	[sflag:s22] =	ssyncset.done $0x0  }
0xa6: {  	[sflag:s22] =	ssyncadd.s32 s5;
	_ =	sdelay $0x1  }
0xa7: {  	s23 =	simm.s32 $0x1B8B  }
0xa8: {  	_ =	swait.ge [sflag:s23], $0x1  }
0xa9: {  	[sflag:s23] =	ssyncset.done $0x0  }
0xaa: {  	s25 =	simm.s32 $0x1B8E;
	s24 =	sld [smem:$0x3FFE];
	[sflag:s23] =	ssyncadd.s32 $0xFFFFFFFF  }
0xab: {  	s26 =	simm.s32 $execute0_lowered;
	[smem:$0x3FD2] =	sst s25  }
0xac: {  	s6 =	sshll.u32 s26, $0x1;
	_ =	strace $0x80000046;
	[dreg:$0x1] =	wrdreg $0xFFFFFFFF  }
0xad: {  	s28 =	simm.s32 $_size_execute0_lowered;
	s4 =	sadd.s32 s4, s6;
	[dreg:$0x0] =	wrdreg $0x0  }
0xae: {  	s6 =	sshll.u32 s28, $0x1;
	[dreg:$0x2] =	wrdreg s4  }
0xaf: {  	[dreg:$0x3] =	wrdreg s6  }
0xb0: {  	[dreg:$0x4] =	wrdreg $0xC0  }
0xb1: {  	_ =	task [dreg:s8], $0x5FFFF  }
0xb2: {  	[dreg:$0x1] =	wrdreg $0xFFFFFFFF  }
0xb3: {  	[dreg:$0x0] =	wrdreg $0x60  }
0xb4: {  	[dreg:$0x2] =	wrdreg s16  }
0xb5: {  	[dreg:$0x3] =	wrdreg s17  }
0xb6: {  	[dreg:$0x4] =	wrdreg s24  }
0xb7: {  	[dreg:$0x5] =	wrdreg $0x9  }
0xb8: {  	_ =	task.clear_ibuf [dreg:s8], $0x6FFFF;
	_ =	strace $0x90000046  }
0xb9: {  	s29 =	simm.s32 $0x9;
	_ =	strace $0x80000048  }
0xba: {  	_ =	swait.ge [sflag:s29], $0x1  }
0xbb: {  	[sflag:s29] =	ssyncadd.s32 $0xFFFFFFFF  }
0xbc: {  	_ =	strace $0x90000048  }
0xbd: {  	_ =	sfence  }
0xbe: {  	s30 =	sld [smem:$0x0];
	_ =	sdelay $0x2  }
0xbf: {  	s31 =	sshll.u32 s1, $0xD;
	s1 =	sshrl.u32 s1, $0x2  }
0xc0: {  	s3 =	sand.u32 $0x4000, s31;
	s1 =	sadd.s32 s1, s30  }
0xc1: {  	s0 =	sor.u32 s3, s0;
	s1 =	sshll.u32 s1, $0x11  }
0xc2: {  	s0 =	sor.u32 s1, s0  }
0xc3: {  	s0 =	sadd.s32 $0x8F2B, s0  }
0xc4: {  	[sflag:s0] =	ssyncadd.remote.s32 $0x1  }
0xc5: {  	_ =	sfence.sel $0xFFFF  }
0xc6: {  	[dreg:$0x0] =	wrdreg $0xFFFFFFFF;
	(pc) =	sbr.abs _section_cstart, $3  }
0xc7: {  	[dreg:$0x1] =	wrdreg $0xFFFFFFFF  }
0xc8: {  	_ =	task.clear_ibuf [dreg:s8], $0x2FFFF;
	_ =	strace $0x9FFFFFFF  }
0xc9: {  	(tm) =	ssettm $0x7FFFFFFF  }
tec
execute0_lowered:
.L_overlay_start_1:
0x0: {  	(tag) =	ssettag $0x1  }
0x1: {  	s4 =	rddreg [dreg:$0x0]  }
0x2: {  	s0 =	rddreg [dreg:$0x1];
	v0 =	vimm.s32 $0xEFCDAB89;
	v1 =	vimm.s32 $0x67452301;
	v2 =	vimm.s32 $0xDCFE98BA  }
0x3: {  	s5 =	rddreg [dreg:$0x2];
	v3 =	vimm.s32 $0x54761032;
	v4 =	vimm.s32 $0x543210FE;
	v5 =	vimm.s32 $0xDCBA9876  }
0x4: {  	s1 =	rddreg [dreg:$0x3];
	v0 =	vunpack.c.l.s4.s8 v0;
	v1 =	vunpack.c.l.s4.s8 v1;
	v2 =	vunpack.c.l.s4.s8 v2  }
0x5: {  	s6 =	srdreg.scid;
	s2 =	stileid.u32;
	v3 =	vunpack.c.l.s4.s8 v3;
	v4 =	vunpack.c.l.s4.s8 v4;
	v5 =	vunpack.c.l.s4.s8 v5  }
0x6: {  	s3 =	simm.s32 $0x0;
	s10 =	simm.s32 $0x0;
	s6 =	sand.u32 $0x1, s6;
	v0 =	vunpack.c.0.s8.s32 v0;
	v1 =	vunpack.c.0.s8.s32 v1;
	v2 =	vunpack.c.0.s8.s32 v2  }
0x7: {  	s7 =	sshll.u32 s2, $0x1;
	[smem:$0x7FF] =	sst s3;
	s8 =	ssub.s32 $0x2, s6;
	v3 =	vunpack.c.0.s8.s32 v3;
	v4 =	vunpack.c.0.s8.s32 v4;
	v5 =	vunpack.c.0.s8.s32 v5  }
0x8: {  	s6 =	sor.u32 s6, s7;
	_ =	strace $0x80000047;
	s31 =	sshrl.u32 s8, $0x1;
	v1 =	vcombine.low v1, v0  }
0x9: {  	s9 =	sshll.u32 s6, $0xA;
	s6 =	sshll.u32 s6, $0xD;
	s7 =	ssub.s32 s8, s31;
	v2 =	vcombine.low v3, v2;
	v3 =	vcombine.low v5, v4  }
0xa: {  	vm0 =	vmmov $0x3ff;
	vm1 =	vcmask $0x3328;
	s4 =	sadd.s32 s4, s9;
	s5 =	sadd.s32 s5, s6;
	s8 =	simm.s32 $0x12000;
	v0 =	vlaneseq.u32  }
0xb: {  	s9 =	simm.s32 $0x2000;
	s6 =	smax.u32 s7, $0x1;
	s7 =	simm.s32 $0x1;
	v1 =	vand.u32 $0xF, v1;
	v2 =	vand.u32 $0xF, v2;
	v3 =	vand.u32 $0xF, v3  }
.LBB2_1:
0xc: {  	[tilespmem:s3], [sflag:$0x1] =	stream.linear.gather [hbm4b:s4+s3], $0x2000, $0x38;
	[tilespmem:$0x12080] =	vst v63  }
0xd: {  	_ =	swait.ge [sflag:s7], $0x2000  }
0xe: {  	[sflag:s7] =	ssyncset.done $0x0  }
0xf: {  	[sflag:s7] =	ssyncadd.s32 $0xFFFFE000  }
0x10: {  	[tilespmem:s8], [sflag:$0x1] =	stream.linear.gather [hbm4b:s0+s3], $0x80, $0x38;
	[tilespmem:$0x12080] =	vst v63  }
0x11: {  	_ =	swait.ge [sflag:s7], $0x80  }
0x12: {  	[sflag:s7] =	ssyncset.done $0x0  }
0x13: {  	s11 =	simm.s32 $0x20;
	[sflag:s7] =	ssyncadd.s32 $0xFFFFFF80  }
0x14: {  	v4 =	vld [tilespmem:s11+$0x10]  }
0x15: {  	v5 =	vld [tilespmem:s11+$0xFFFFFFF0]  }
0x16: {  	v6 =	vld [tilespmem:s11+$0x0]  }
0x17: {  	v7 =	vld [tilespmem:s11+$0xFFFFFFE0];
	_ =	sdelay $0x1  }
0x18: {  	v4 =	vnsel vm0, $0xBF800000, v4  }
0x19: {  	v5 =	vnsel vm0, $0xBF800000, v5;
	(xrf1) =	vsort.dscd.msk.f32 $0xffff, v4, v0  }
0x1a: {  	v4 =	vnsel vm0, $0xBF800000, v6;
	(xrf1) =	vsort.dscd.msk.f32 $0xffff, v5, v0  }
0x1b: {  	v5 =	vnsel vm0, $0xBF800000, v7;
	(xrf1) =	vsort.dscd.msk.f32 $0xffff, v4, v0  }
0x1c: {  	(xrf1) =	vsort.dscd.msk.f32 $0xffff, v5, v0;
	_ =	sdelay $0x5  }
0x1d: {  	v4 =	vld [tilespmem:$0x12000];
	_ =	sdelay $0x2  }
0x1e: {  	s28 =	simm.s32 $0x60  }
0x1f: {  	v9 =	vld [tilespmem:s28+$0x10]  }
0x20: {  	vm2 =	vne.s32 v4, $0x0;
	v4, v7, _ =	vpop (xrf1)  }
0x21: {  	v14 =	vnsel vm2, $0x0, v4;
	v5, v8, _ =	vpop (xrf1)  }
0x22: {  	v15 =	vld [tilespmem:s28+$0xFFFFFFF0];
	v6 =	vperm.xlane v14, v1;
	v10, v12, _ =	vpop (xrf1)  }
0x23: {  	v17 =	vld [tilespmem:s28+$0x0];
	v4, v13, _ =	vpop (xrf1)  }
0x24: {  	v19 =	vld [tilespmem:s28+$0xFFFFFFE0];
	v9 =	vnsel vm0, $0xBF800000, v9;
	v4 =	vnsel vm2, $0x0, v4;
	v11 =	vadd.f32 v14, v6  }
0x25: {  	v5 =	vnsel vm2, $0x0, v5;
	v21 =	vperm.xlane v8, v3;
	v16 =	vperm.xlane v4, v1  }
0x26: {  	v18 =	vperm.xlane v5, v1;
	v6 =	vnsel vm2, $0x0, v10;
	v10 =	vperm.xlane v11, v2  }
0x27: {  	v22 =	vnsel vm0, $0xBF800000, v15;
	(xrf1) =	vsort.dscd.msk.f32 $0xffff, v9, v0;
	v20 =	vperm.xlane v6, v1;
	v16 =	vadd.f32 v4, v16  }
0x28: {  	v17 =	vnsel vm0, $0xBF800000, v17;
	(xrf1) =	vsort.dscd.msk.f32 $0xffff, v22, v0;
	v9 =	vadd.f32 v11, v10;
	v10 =	vadd.f32 v5, v18  }
0x29: {  	v19 =	vnsel vm0, $0xBF800000, v19;
	(xrf1) =	vsort.dscd.msk.f32 $0xffff, v17, v0;
	v11 =	vadd.f32 v6, v20;
	v18 =	vperm.xlane v16, v2  }
0x2a: {  	(xrf1) =	vsort.dscd.msk.f32 $0xffff, v19, v0;
	(erf) = vrcp.f32 v9;
	v9 =	vperm.xlane v10, v2  }
0x2b: {  	v23 =	vand.u32 $0xFFFFFF80, v8;
	v16 =	vadd.f32 v16, v18;
	v18 =	vperm.xlane v11, v2  }
0x2c: {  	v24 =	vand.u32 $0xFFFFFF80, v12;
	v20 =	vperm.xlane v12, v3;
	v9 =	vadd.f32 v10, v9  }
0x2d: {  	s30 =	simm.s32 $0x0;
	v10 =	vand.u32 $0xFFFFFF80, v13;
	v15 =	vadd.f32 v11, v18;
	v18 =	vperm.xlane v13, v3  }
0x2e: {  	s29 =	simm.s32 $0x180;
	(erf) = vrcp.f32 v16;
	v11 =	vand.u32 $0xFFFFFF80, v7;
	v10 =	vadd.s32 s30, v10  }
0x2f: {  	(erf) = vrcp.f32 v9;
	v9 =	vand.u32 $0x7F, v7;
	v11 =	vadd.s32 s29, v11  }
0x30: {  	s12 =	simm.s32 $0x100;
	v11 =	vor.u32 v9, v11;
	v9 =	vand.u32 $0x7F, v13;
	v13 =	vnsel vm1, $0x0, v18  }
0x31: {  	v18 =	vperm.xlane v7, v3;
	v9 =	vor.u32 v9, v10;
	v10 =	vadd.s32 s12, v24  }
0x32: {  	s31 =	simm.s32 $0x80;
	v8 =	vand.u32 $0x7F, v8;
	v12 =	vand.u32 $0x7F, v12;
	(erf) = vrcp.f32 v15  }
0x33: {  	v16 =	vnsel vm1, $0x0, v21;
	v15 =	vnsel vm1, $0x0, v20;
	v7 =	vadd.s32 s31, v23  }
0x34: {  	s14 =	simm.s32 $0xA0;
	s13 =	simm.s32 $0x4;
	v7 =	vor.u32 v8, v7;
	v13 =	vsel vm0, $0x0, v13;
	v17 =	vnsel vm1, $0x0, v18;
	v20 =	vpop (erf)  }
0x35: {  	s15 =	simm.s32 $0xC;
	s11 =	simm.s32 $0x8;
	s12 =	simm.s32 $0x2100;
	v8 =	vor.u32 v12, v10;
	v12 =	vld [tilespmem:s14+$0x10];
	v17 =	vsel vm0, $0x0, v17;
	v18, v10, _ =	vpop (xrf1);
	v14 =	vmul.f32 v20, v14  }
.LBB2_2:
0x36: {  	p0 =	slt.u32 s15, $0x1FC;
	v19 =	vld [tilespmem:s14+$0xFFFFFFF0];
	v20 =	vnsel vm2, $0x0, v18;
	v18, v21, _ =	vpop (xrf1);
	v16 =	vsel vm0, $0x0, v16;
	v15 =	vsel vm0, $0x0, v15;
	[tilespmem:s12+$0x80] =	vst v17  }
0x37: {  	v17 =	vld [tilespmem:s14+$0x0];
	v18 =	vnsel vm2, $0x0, v18;
	v22 =	vperm.xlane v21, v3;
	v23 =	vperm.xlane v20, v1;
	v24, v25, _ =	vpop (xrf1);
	[tilespmem:v11+s9+$0x0] =	vst.idx.msk vm2, v14  }
0x38: {  	v11 =	vld [tilespmem:s14+$0xFFFFFFE0];
	v14 =	vperm.xlane v18, v1;
	v24 =	vnsel vm2, $0x0, v24;
	v26 =	vperm.xlane v25, v3;
	v27, v28, _ =	vpop (xrf1);
	[tilespmem:s12+$0xFFFFFF00] =	vst v13  }
0x39: {  	v13 =	vnsel vm2, $0x0, v27;
	v27 =	vperm.xlane v24, v1;
	v23 =	vadd.f32 v20, v23;
	[tilespmem:s12+$0xFFFFFF80] =	vst v16;
	v16 =	vpop (erf)  }
0x3a: {  	v12 =	vnsel vm0, $0xBF800000, v12;
	v29 =	vperm.xlane v13, v1;
	v14 =	vadd.f32 v18, v14;
	[tilespmem:s12+$0x0] =	vst v15;
	v15 =	vpop (erf)  }
0x3b: {  	v19 =	vnsel vm0, $0xBF800000, v19;
	(xrf1) =	vsort.dscd.msk.f32 $0xffff, v12, v0;
	v12 =	vadd.f32 v24, v27;
	v27 =	vperm.xlane v23, v2;
	v30 =	vpop (erf)  }
0x3c: {  	v17 =	vnsel vm0, $0xBF800000, v17;
	(xrf1) =	vsort.dscd.msk.f32 $0xffff, v19, v0;
	v19 =	vadd.f32 v13, v29;
	v29 =	vperm.xlane v14, v2  }
0x3d: {  	v11 =	vnsel vm0, $0xBF800000, v11;
	(xrf1) =	vsort.dscd.msk.f32 $0xffff, v17, v0;
	v17 =	vperm.xlane v12, v2;
	v23 =	vadd.f32 v23, v27  }
0x3e: {  	v27 =	vand.u32 $0xFFFFFF80, v28;
	(xrf1) =	vsort.dscd.msk.f32 $0xffff, v11, v0;
	v11 =	vperm.xlane v19, v2;
	v14 =	vadd.f32 v14, v29  }
0x3f: {  	v29 =	vperm.xlane v28, v3;
	v12 =	vadd.f32 v12, v17;
	(erf) = vrcp.f32 v23  }
0x40: {  	v17 =	vand.u32 $0xFFFFFF80, v21;
	v11 =	vadd.f32 v19, v11;
	v19 =	vand.u32 $0xFFFFFF80, v25  }
0x41: {  	v31 =	vmul.f32 v15, v5;
	v5 =	vmovc v18;
	v23 =	vand.u32 $0x7F, v28;
	v28 =	vmul.f32 v16, v4;
	v4 =	vmovc v13  }
0x42: {  	v18 =	vand.u32 $0x7F, v25;
	v13 =	vand.u32 $0x7F, v21;
	v21 =	vmul.f32 v30, v6;
	v6 =	vmovc v24  }
0x43: {  	s16 =	sshll.u32 s13, $0x7;
	s13 =	smov.u32 s11;
	s11 =	smov.u32 s15;
	v15 =	vnsel vm1, $0x0, v26;
	v16 =	vnsel vm1, $0x0, v22;
	v24 =	vnsel vm1, $0x0, v29;
	[tilespmem:v9+s9+$0x0] =	vst.idx.msk vm2, v28  }
0x44: {  	s17 =	sadd.s32 $0x80, s16;
	s18 =	sadd.s32 $0x100, s16;
	v22 =	vand.u32 $0xFFFFFF80, v10;
	v9 =	vadd.s32 s16, v27;
	s16 =	sadd.s32 $0x180, s16;
	(erf) = vrcp.f32 v11;
	[tilespmem:v8+s9+$0x0] =	vst.idx.msk vm2, v21  }
.Ltmp0:
0x45: {  	v8 =	vand.u32 $0x7F, v10;
	v11 =	vadd.s32 s16, v22;
	(erf) = vrcp.f32 v14;
	[tilespmem:v7+s9+$0x0] =	vst.idx.msk vm2, v31;
	(pc) =	sbr.rel @p0 .LBB2_2-.Ltmp0, $4  }
0x46: {  	v21 =	vperm.xlane v10, v3;
	v11 =	vor.u32 v8, v11;
	(erf) = vrcp.f32 v12  }
0x47: {  	v9 =	vor.u32 v23, v9;
	v7 =	vadd.s32 s17, v17;
	v8 =	vadd.s32 s18, v19  }
0x48: {  	s14 =	sadd.s32 $0x40, s14;
	v7 =	vor.u32 v13, v7;
	v8 =	vor.u32 v18, v8;
	v17 =	vnsel vm1, $0x0, v21;
	v14 =	vpop (erf)  }
0x49: {  	s15 =	sadd.s32 $0x4, s15;
	s12 =	sadd.s32 $0x200, s12;
	v13 =	vsel vm0, $0x0, v24;
	v17 =	vsel vm0, $0x0, v17;
	v12 =	vld [tilespmem:s14+$0x10];
	v18, v10, _ =	vpop (xrf1);
	v14 =	vmul.f32 v14, v20  }
0x4a: {  	v19 =	vld [tilespmem:s14+$0xFFFFFFF0]  }
0x4b: {  	v20 =	vld [tilespmem:s14+$0x0]  }
0x4c: {  	v21 =	vld [tilespmem:s14+$0xFFFFFFE0];
	v18 =	vnsel vm2, $0x0, v18  }
0x4d: {  	v16 =	vsel vm0, $0x0, v16;
	v15 =	vsel vm0, $0x0, v15;
	v48 =	vand.u32 $0xFFFFFF80, v10  }
0x4e: {  	v22, v23, _ =	vpop (xrf1);
	v50 =	vand.u32 $0x7F, v10;
	v52 =	vperm.xlane v10, v3;
	v24 =	vnsel vm0, $0xBF800000, v12  }
0x4f: {  	v33, v25, _ =	vpop (xrf1);
	v34 =	vperm.xlane v18, v1;
	v29 =	vperm.xlane v23, v3;
	(xrf1) =	vsort.dscd.msk.f32 $0xffff, v24, v0;
	v19 =	vnsel vm0, $0xBF800000, v19  }
0x50: {  	s13 =	sshll.u32 s13, $0x7;
	v41 =	vand.u32 $0xFFFFFF80, v23;
	v43 =	vand.u32 $0x7F, v23;
	v27, v28, _ =	vpop (xrf1);
	v20 =	vnsel vm0, $0xBF800000, v20;
	(xrf1) =	vsort.dscd.msk.f32 $0xffff, v19, v0  }
0x51: {  	s26 =	sadd.s32 $0x180, s13;
	s28 =	sadd.s32 $0x80, s13;
	v31 =	vperm.xlane v25, v3;
	v42 =	vand.u32 $0xFFFFFF80, v25;
	v21 =	vnsel vm0, $0xBF800000, v21;
	(xrf1) =	vsort.dscd.msk.f32 $0xffff, v20, v0  }
0x52: {  	v44 =	vand.u32 $0x7F, v25;
	v51 =	vadd.s32 s26, v48;
	v54 =	vadd.s32 s28, v41;
	(xrf1) =	vsort.dscd.msk.f32 $0xffff, v21, v0  }
0x53: {  	v10 =	vnsel vm1, $0x0, v52;
	v27 =	vnsel vm2, $0x0, v27;
	v29 =	vnsel vm1, $0x0, v29  }
0x54: {  	v58 =	vor.u32 v43, v54;
	v12 =	vnsel vm2, $0x0, v22;
	v22 =	vnsel vm2, $0x0, v33  }
0x55: {  	v39 =	vpop (erf);
	v36 =	vperm.xlane v27, v1;
	v33 =	vand.u32 $0xFFFFFF80, v28;
	v24 =	vadd.f32 v18, v34  }
0x56: {  	v4 =	vmul.f32 v39, v4;
	v46 =	vnsel vm1, $0x0, v31;
	v26 =	vperm.xlane v12, v1  }
0x57: {  	v35 =	vperm.xlane v22, v1;
	v37 =	vperm.xlane v24, v2;
	v20 =	vadd.f32 v27, v36  }
0x58: {  	v41 =	vsel vm0, $0x0, v29;
	v34 =	vperm.xlane v28, v3;
	v26 =	vadd.f32 v12, v26  }
0x59: {  	v19 =	vadd.f32 v22, v35;
	v21 =	vadd.f32 v24, v37;
	v38 =	vperm.xlane v20, v2  }
0x5a: {  	v28 =	vand.u32 $0x7F, v28;
	v47 =	vadd.s32 s13, v33;
	v30 =	vperm.xlane v26, v2  }
0x5b: {  	v40 =	vpop (erf);
	s13 =	sadd.s32 $0x100, s13;
	v32 =	vperm.xlane v19, v2;
	(erf) = vrcp.f32 v21;
	v20 =	vadd.f32 v20, v38  }
0x5c: {  	v5 =	vmul.f32 v40, v5;
	v55 =	vadd.s32 s13, v42;
	v35 =	vpop (erf);
	v26 =	vadd.f32 v26, v30  }
0x5d: {  	[tilespmem:s12+$0xFFFFFF80] =	vst v16;
	v45 =	vnsel vm1, $0x0, v34;
	v19 =	vadd.f32 v19, v32;
	(erf) = vrcp.f32 v20;
	v49, v34, _ =	vpop (xrf1)  }
0x5e: {  	v59 =	vor.u32 v44, v55;
	[tilespmem:v7+s9+$0x0] =	vst.idx.msk vm2, v5;
	v5 =	vsel vm0, $0x0, v46;
	(erf) = vrcp.f32 v26;
	v53, v36, _ =	vpop (xrf1)  }
0x5f: {  	(erf) = vrcp.f32 v19;
	v19 =	vor.u32 v28, v47;
	v20 =	vnsel vm2, $0x0, v49;
	v28, v31, _ =	vpop (xrf1)  }
0x60: {  	[tilespmem:s12+$0x80] =	vst v17;
	v6 =	vmul.f32 v35, v6;
	v38 =	vsel vm0, $0x0, v10;
	v37 =	vperm.xlane v20, v1;
	v57, v56, _ =	vpop (xrf1)  }
0x61: {  	[tilespmem:s12+$0xFFFFFF00] =	vst v13;
	v26 =	vor.u32 v50, v51;
	v51 =	vand.u32 $0xFFFFFF80, v34;
	v17 =	vnsel vm2, $0x0, v57  }
0x62: {  	[tilespmem:v11+s9+$0x0] =	vst.idx.msk vm2, v14;
	v21 =	vnsel vm2, $0x0, v53;
	v37 =	vadd.f32 v20, v37;
	v61 =	vperm.xlane v17, v1  }
0x63: {  	[tilespmem:v9+s9+$0x0] =	vst.idx.msk vm2, v4;
	v54 =	vperm.xlane v34, v3;
	v63 =	vperm.xlane v21, v1;
	v28 =	vnsel vm2, $0x0, v28  }
0x64: {  	v60 =	vpop (erf);
	v33 =	vperm.xlane v28, v1;
	v62 =	vperm.xlane v37, v2;
	v23 =	vadd.f32 v17, v61  }
0x65: {  	v4 =	vmul.f32 v60, v18;
	v44 =	vperm.xlane v36, v3;
	v9 =	vadd.f32 v21, v63  }
0x66: {  	v39 =	vadd.f32 v28, v33;
	v32 =	vadd.f32 v37, v62;
	v40 =	vperm.xlane v23, v2  }
0x67: {  	s29 =	sadd.s32 $0x200, s12;
	s11 =	sshll.u32 s11, $0x7;
	[tilespmem:s12+$0x0] =	vst v15;
	v48 =	vand.u32 $0xFFFFFF80, v36;
	v53 =	vand.u32 $0x7F, v34;
	v42 =	vperm.xlane v9, v2  }
0x68: {  	s30 =	sadd.s32 $0x180, s11;
	[tilespmem:s29+$0xFFFFFF80] =	vst v41;
	v43 =	vperm.xlane v39, v2;
	(erf) = vrcp.f32 v32;
	v10 =	vadd.f32 v23, v40  }
0x69: {  	[tilespmem:s29+$0x80] =	vst v38;
	v18 =	vadd.s32 s30, v51;
	v47 =	vperm.xlane v56, v3;
	v9 =	vadd.f32 v9, v42  }
0x6a: {  	v50 =	vand.u32 $0xFFFFFF80, v31;
	[tilespmem:v26+s9+$0x0] =	vst.idx.msk vm2, v4;
	v4 =	vpop (erf);
	v7 =	vadd.f32 v39, v43;
	(erf) = vrcp.f32 v10  }
0x6b: {  	[tilespmem:v8+s9+$0x0] =	vst.idx.msk vm2, v6;
	v16 =	vor.u32 v53, v18;
	v8 =	vnsel vm1, $0x0, v47;
	v49 =	vpop (erf);
	(erf) = vrcp.f32 v9  }
0x6c: {  	s12 =	sadd.s32 $0x200, s29;
	[tilespmem:s29+$0x0] =	vst v5;
	v46 =	vand.u32 $0xFFFFFF80, v56;
	v8 =	vsel vm0, $0x0, v8;
	v52 =	vpop (erf);
	(erf) = vrcp.f32 v7  }
0x6d: {  	v55 =	vand.u32 $0x7F, v56;
	v37 =	vsel vm0, $0x0, v45;
	[tilespmem:s12+$0xFFFFFF00] =	vst v8;
	v5 =	vmul.f32 v52, v22  }
0x6e: {  	v6 =	vadd.s32 s11, v46;
	v4 =	vmul.f32 v4, v27;
	v45 =	vperm.xlane v31, v3;
	[tilespmem:s29+$0xFFFFFF00] =	vst v37  }
0x6f: {  	v56 =	vand.u32 $0x7F, v36;
	v6 =	vor.u32 v55, v6;
	[tilespmem:v59+s9+$0x0] =	vst.idx.msk vm2, v5;
	v5 =	vnsel vm1, $0x0, v54  }
0x70: {  	s31 =	sadd.s32 $0x100, s11;
	s11 =	sadd.s32 $0x80, s11;
	[tilespmem:v19+s9+$0x0] =	vst.idx.msk vm2, v4;
	v4 =	vand.u32 $0x7F, v31;
	v61 =	vnsel vm1, $0x0, v45;
	v5 =	vsel vm0, $0x0, v5  }
0x71: {  	[tilespmem:s12+$0x80] =	vst v5;
	v5 =	vadd.s32 s11, v48;
	v10 =	vsel vm0, $0x0, v61;
	v9 =	vmul.f32 v49, v12;
	v57 =	vpop (erf)  }
0x72: {  	v59 =	vadd.s32 s31, v50;
	v5 =	vor.u32 v56, v5;
	[tilespmem:s12+$0x0] =	vst v10;
	v7 =	vmul.f32 v57, v20  }
0x73: {  	v4 =	vor.u32 v4, v59;
	[tilespmem:v58+s9+$0x0] =	vst.idx.msk vm2, v9;
	v58 =	vnsel vm1, $0x0, v44;
	v60 =	vpop (erf)  }
0x74: {  	v9 =	vsel vm0, $0x0, v58;
	[tilespmem:v16+s9+$0x0] =	vst.idx.msk vm2, v7;
	v62 =	vpop (erf);
	v7 =	vmul.f32 v60, v17  }
0x75: {  	[tilespmem:s12+$0xFFFFFF80] =	vst v9;
	v63 =	vpop (erf);
	v8 =	vmul.f32 v62, v21  }
0x76: {  	s10 =	sadd.s32 $0x1, s10;
	v9 =	vmul.f32 v63, v28;
	[tilespmem:v6+s9+$0x0] =	vst.idx.msk vm2, v7  }
0x77: {  	p0 =	sne.s32 s10, s6;
	[tilespmem:v5+s9+$0x0] =	vst.idx.msk vm2, v8  }
.Ltmp1:
0x78: {  	[tilespmem:v4+s9+$0x0] =	vst.idx.msk vm2, v9;
	(pc) =	sbr.rel @p0 .LBB2_1-.Ltmp1, $4  }
0x79: {  	[hbm4b:s5+s3] =	stream.linear.scatter [tilespmem:s9], [sflag:$0x1], $0x10000, $0x38;
	[tilespmem:$0x12080] =	vst v63  }
0x7a: {  	_ =	swait.ge [sflag:s7], $0x10000  }
0x7b: {  	[sflag:s7] =	ssyncset.done $0x0  }
0x7c: {  	[sflag:s7] =	ssyncadd.s32 $0xFFFF0000  }
0x7d: {  	_ =	sfence.sel $0x180000  }
0x7e: {  	[bflag:$0x0] =	sbarrier.arrive $0xFFFF  }
0x7f: {  	p0 =	sne.s32 s2, $0x0;
	_ =	strace $0x90000047  }
0x80: {  	s0 =	sadd.s32 @!p0 $0x100000, s1;
	[bflag:$0x2] =	sbarrier.arrive $0xFFFF  }
0x81: {  	[sflag:s0] =	ssyncadd.tile.s32 @!p0 $0x1;
	_ =	shalt  }
.Lfunc_end2:
_tile_overlayer_lowered:
.L_overlay_start_2:
0x82: {  	(tag) =	ssettag $0x2  }
0x83: {  	s0 =	rddreg [dreg:$0x0];
	s2 =	stileid.u32  }
0x84: {  	s1 =	rddreg [dreg:$0x1];
	p0 =	sne.s32 s2, $0x0  }
0x85: {  	s3 =	rddreg [dreg:$0x2];
	[bflag:$0x3] =	sbarrier.arrive $0xFFFF;
	s2 =	simm.s32 @!p0 $0x1C01  }
0x86: {  	[timem:s3], [sflag:s2] =	dma.local @!p0 [hbm:s0], s1  }
0x87: {  	s0 =	simm.s32 @!p0 $0x1  }
0x88: {  	_ =	swait.ge @!p0 [sflag:s0], s1  }
0x89: {  	s1 =	ssub.s32 @!p0 $0x0, s1;
	[sflag:s0] =	ssyncset.done @!p0 $0x0  }
0x8a: {  	[sflag:s0] =	ssyncadd.s32 @!p0 s1  }
0x8b: {  	[bflag:$0x3] =	sbarrier.arrive $0xFFFF  }
0x8c: {  	_ =	shalt  }

// kernel: kernel.8.cloned.1.call-start
scs
__scs_entry_jumppad:
0x0: {  	(pc) =	sbr.rel $0x88, $3  }
0x1: {  	(tag) =	ssettag $0x0;
	lr =	simm.s32 $0x1  }
0x2: {  	[smem:$0x3F9A] =	sst lr;
	_ =	strace $0xD0000000  }
0x3: {  	_ = 	snop  }
0x4: {  	_ = 	snop  }
0x5: {  	_ = 	snop  }
0x6: {  	_ = 	snop  }
0x7: {  	_ = 	snop  }
__scs_overlays_trampoline_lowered:
0x8: {  	[smem:$0x3FA9] =	sst s0  }
0x9: {  	[smem:$0x3FAA] =	sst s1  }
0xa: {  	[smem:$0x3FAB] =	sst s2  }
0xb: {  	[smem:$0x3FAC] =	sst s3  }
0xc: {  	[smem:$0x3FAD] =	sst s4  }
0xd: {  	[smem:$0x3FAE] =	sst s5  }
0xe: {  	[smem:$0x3FAF] =	sst s6  }
0xf: {  	[smem:$0x3FB0] =	sst s7  }
0x10: {  	[smem:$0x3FB1] =	sst s8  }
0x11: {  	[smem:$0x3FB2] =	sst s9;
	s0 =	simm.s32 @!p0 $0x0  }
0x12: {  	s1 =	sld [smem:$0x3F98];
	s0 =	simm.s32 @p0 $0x1  }
0x13: {  	[smem:$0x3FB3] =	sst s0;
	s0 =	simm.s32 @!p1 $0x0  }
0x14: {  	s2 =	sld [smem:$0x3F97];
	s0 =	simm.s32 @p1 $0x1  }
0x15: {  	[smem:$0x3FB4] =	sst s0;
	s0 =	simm.s32 @!p2 $0x0  }
0x16: {  	s3 =	sld [smem:$0x3FDB];
	s0 =	simm.s32 @p2 $0x1  }
0x17: {  	s4 =	simm.s32 $0x1BF5;
	[smem:$0x3FB6] =	sst s0  }
0x18: {  	s0 =	sld [smem:$0x3F99];
	_ =	swait.ge [sflag:s4], $0x0  }
0x19: {  	s7 =	sld [smem:$0x3F9A]  }
0x1a: {  	s8 =	sadd.s32 $0xFFFFE003, lr  }
0x1b: {  	s9 =	sadd.s32 $0xFFFFFEF7, lr;
	s5 =	simm.s32 $0xFFFFFFFF;
	p2 =	slt.u32 s8, $0xFFFFF086  }
0x1c: {  	p1 =	slt.u32 s9, $0xF7A;
	s5 =	simm.s32 @!p2 $0x0  }
0x1d: {  	s5 =	simm.s32 @p1 $0x1;
	p0 =	seq.s32 s7, s2  }
0x1e: {  	s7 =	smul.u32 @!p0 $0xF7A, s2;
	p2 =	seq.s32 @!p0 s5, $0x0  }
0x1f: {  	s9 =	smul.u32 $0xF7A, s1;
	s8 =	simm.s32 @!p0 $0x1BF5;
	p2 =	por !p2, p0  }
0x20: {  	[sflag:s8] =	ssyncset.s32 @!p0 $0xFFFFF086;
	s6 =	sadd.s32 @!p0 s3, s7;
	s7 =	simm.s32 @!p0 $0x108  }
0x21: {  	s3 =	sadd.s32 s3, s9;
	s6 =	sadd.s32 @!p0 $0x88, s6;
	s7 =	simm.s32 @p2 $0x1082  }
0x22: {  	[simem:s7], [sflag:s8] =	dma.local @!p0 [hbm:s6], $0xF7A  }
0x23: {  	s9 =	sor.u32 $0xD0000000, s2;
	s6 =	simm.s32 $0x108;
	_ =	swait.ge @!p0 [sflag:s8], $0x0  }
0x24: {  	s3 =	sadd.s32 $0x88, s3;
	s6 =	simm.s32 @!p1 $0x1082;
	[sflag:s4] =	ssyncset.s32 $0xFFFFF086  }
0x25: {  	[simem:s6], [sflag:s4] =	dma.local [hbm:s3], $0xF7A  }
0x26: {  	[smem:$0x3F9A] =	sst s1;
	(tag) =	ssettag s2;
	_ =	strace s9  }
0x27: {  	s1 =	sld [smem:$0x3FAA]  }
0x28: {  	s2 =	sld [smem:$0x3FAB]  }
0x29: {  	s4 =	sld [smem:$0x3FAD]  }
0x2a: {  	p0 =	seq.s32 s5, $0x0;
	s5 =	sld [smem:$0x3FAE]  }
0x2b: {  	s6 =	sld [smem:$0x3FAF]  }
0x2c: {  	s7 =	sld [smem:$0x3FB0]  }
0x2d: {  	s3 =	simm.s32 $0x108;
	s8 =	sld [smem:$0x3FB1]  }
0x2e: {  	s3 =	simm.s32 @!p0 $0x1082;
	s9 =	sld [smem:$0x3FB2]  }
0x2f: {  	lr =	sadd.s32 s0, s3;
	s0 =	sld [smem:$0x3FA9]  }
0x30: {  	s3 =	sld [smem:$0x3FAC]  }
0x31: {  	[smem:$0x3FB5] =	sst s10  }
0x32: {  	s10 =	sld [smem:$0x3FB3];
	_ =	sdelay $0x3  }
0x33: {  	p0 =	seq.s32 s10, $0x1;
	s10 =	sld [smem:$0x3FB5];
	_ =	sdelay $0x3  }
0x34: {  	[smem:$0x3FB5] =	sst s10  }
0x35: {  	s10 =	sld [smem:$0x3FB4];
	_ =	sdelay $0x3  }
0x36: {  	p1 =	seq.s32 s10, $0x1;
	s10 =	sld [smem:$0x3FB5];
	_ =	sdelay $0x3  }
0x37: {  	[smem:$0x3FB5] =	sst s10  }
0x38: {  	s10 =	sld [smem:$0x3FB6]  }
0x39: {  	_ = 	snop;
	(pc) =	sbr.ind lr, $3  }
0x3a: {  	_ = 	snop  }
0x3b: {  	_ = 	snop  }
0x3c: {  	p2 =	seq.s32 s10, $0x1;
	s10 =	sld [smem:$0x3FB5]  }
0x3d: {  	_ =	shalt  }
0x3e: {  	_ =	shalt  }
0x3f: {  	_ =	shalt  }
0x40: {  	_ =	shalt  }
0x41: {  	_ =	shalt  }
0x42: {  	_ =	shalt  }
0x43: {  	_ =	shalt  }
0x44: {  	_ =	shalt  }
0x45: {  	_ =	shalt  }
0x46: {  	_ =	shalt  }
0x47: {  	_ =	shalt  }
0x48: {  	_ =	shalt  }
0x49: {  	_ =	shalt  }
0x4a: {  	_ =	shalt  }
0x4b: {  	_ =	shalt  }
0x4c: {  	_ =	shalt  }
0x4d: {  	_ =	shalt  }
0x4e: {  	_ =	shalt  }
0x4f: {  	_ =	shalt  }
0x50: {  	_ =	shalt  }
0x51: {  	_ =	shalt  }
0x52: {  	_ =	shalt  }
0x53: {  	_ =	shalt  }
0x54: {  	_ =	shalt  }
0x55: {  	_ =	shalt  }
0x56: {  	_ =	shalt  }
0x57: {  	_ =	shalt  }
0x58: {  	_ =	shalt  }
0x59: {  	_ =	shalt  }
0x5a: {  	_ =	shalt  }
0x5b: {  	_ =	shalt  }
0x5c: {  	_ =	shalt  }
0x5d: {  	_ =	shalt  }
0x5e: {  	_ =	shalt  }
0x5f: {  	_ =	shalt  }
0x60: {  	_ =	shalt  }
0x61: {  	_ =	shalt  }
0x62: {  	_ =	shalt  }
0x63: {  	_ =	shalt  }
0x64: {  	_ =	shalt  }
0x65: {  	_ =	shalt  }
0x66: {  	_ =	shalt  }
0x67: {  	_ =	shalt  }
0x68: {  	_ =	shalt  }
0x69: {  	_ =	shalt  }
0x6a: {  	_ =	shalt  }
0x6b: {  	_ =	shalt  }
0x6c: {  	_ =	shalt  }
0x6d: {  	_ =	shalt  }
0x6e: {  	_ =	shalt  }
0x6f: {  	_ =	shalt  }
0x70: {  	_ =	shalt  }
0x71: {  	_ =	shalt  }
0x72: {  	_ =	shalt  }
0x73: {  	_ =	shalt  }
0x74: {  	_ =	shalt  }
0x75: {  	_ =	shalt  }
0x76: {  	_ =	shalt  }
0x77: {  	_ =	shalt  }
0x78: {  	_ =	shalt  }
0x79: {  	_ =	shalt  }
0x7a: {  	_ =	shalt  }
0x7b: {  	_ =	shalt  }
0x7c: {  	_ =	shalt  }
0x7d: {  	_ =	shalt  }
0x7e: {  	_ =	shalt  }
0x7f: {  	_ =	shalt  }
0x80: {  	_ =	shalt  }
0x81: {  	_ =	shalt  }
0x82: {  	_ =	shalt  }
0x83: {  	_ =	shalt  }
0x84: {  	_ =	shalt  }
0x85: {  	_ =	shalt  }
0x86: {  	_ =	shalt  }
0x87: {  	_ =	shalt  }
.Lfunc_end0:
.L_simem_size_0:
called_computation.1_lowered:
.L_overlay_start_0:
0x88: {  	s2 =	sld [smem:$0x3FD9]  }
0x89: {  	s3 =	sld [smem:$0x3FFE];
	_ =	sdelay $0x1  }
0x8a: {  	s1 =	srdreg.scid  }
0x8b: {  	s0 =	sand.u32 $0x1, s1  }
0x8c: {  	s15 =	sshll.u32 s0, $0xA;
	s2 =	sadd.s32 s3, s2  }
0x8d: {  	s2 =	sadd.s32 s2, s15  }
0x8e: {  	[smem:$0x3FC1] =	sst s2  }
0x8f: {  	_ = 	snop  }
0x90: {  	s2 =	sld [smem:$0x3FD0];
	_ =	sdelay $0x2  }
0x91: {  	s4 =	simm.s32 $0xB;
	s16 =	simm.s32 $0x10  }
0x92: {  	[smem:s16], [sflag:s4] =	dma.local [hbm:s2], $0x1  }
0x93: {  	_ =	swait.eq [sflag:s4], $0x1  }
0x94: {  	[sflag:s4] =	ssyncset.done $0x0  }
0x95: {  	s17 =	sld [smem:$0x10];
	[sflag:s4] =	ssyncadd.s32 $0xFFFFFFFF  }
0x96: {  	s18 =	sld [smem:$0x13];
	(tm) =	ssettm $0x1  }
0x97: {  	s19 =	sld [smem:$0x3FFB];
	_ =	sdelay $0x3  }
0x98: {  	_ =	strace s19  }
0x99: {  	s2 =	sld [smem:$0x3FFC];
	_ =	sdelay $0x3  }
0x9a: {  	_ =	strace s2  }
0x9b: {  	s2 =	sld [smem:$0x3FFD];
	_ =	sdelay $0x3  }
0x9c: {  	_ =	strace s2  }
0x9d: {  	_ =	strace $0x8FFFFFFF  }
0x9e: {  	s20 =	sld [smem:$0x3FDB];
	_ =	sdelay $0x1  }
0x9f: {  	s5 =	simm.s32 $_scs_section_size  }
0xa0: {  	s6 =	simm.s32 $_size__tile_overlayer_lowered;
	s7 =	simm.s32 $_tile_overlayer_lowered  }
0xa1: {  	s8 =	simm.s32 $0x1BFF;
	s21 =	sshll.u32 s7, $0x1;
	s5 =	sadd.s32 s5, s20  }
0xa2: {  	s22 =	simm.s32 $0x0;
	s6 =	sshll.u32 s6, $0x1;
	s7 =	sadd.s32 s21, s5  }
0xa3: {  	[timem:s22], [sflag:s8] =	dma.local [hbm:s7], s6  }
0xa4: {  	_ =	swait.ge [sflag:s8], s6  }
0xa5: {  	s6 =	ssub.s32 $0x0, s6;
	[sflag:s8] =	ssyncset.done $0x0  }
0xa6: {  	[sflag:s8] =	ssyncadd.s32 s6;
	_ =	sdelay $0x1  }
0xa7: {  	s23 =	simm.s32 $0x1B8B  }
0xa8: {  	_ =	swait.ge [sflag:s23], $0x1  }
0xa9: {  	[sflag:s23] =	ssyncset.done $0x0  }
0xaa: {  	[sflag:s23] =	ssyncadd.s32 $0xFFFFFFFF  }
0xab: {  	s6 =	sld [smem:$0x0]  }
0xac: {  	s7 =	sand.u32 $0xFFFFFFFE, s1  }
0xad: {  	p0 =	sne.s32 s1, s7  }
0xae: {  	s7 =	sshll.u32 @p0 s7, $0xE  }
0xaf: {  	s7 =	sadd.s32 @p0 $0x11B8D, s7;
	s8 =	sshll.u32 @p0 s6, $0x11  }
0xb0: {  	s7 =	sor.u32 @p0 s8, s7  }
0xb1: {  	[sflag:s7] =	ssyncadd.remote.s32 @p0 $0x1;
	_ =	sdelay $0x1  }
0xb2: {  	s7 =	simm.s32 @p0 $0x1B8D  }
0xb3: {  	_ =	swait.eq @p0 [sflag:s7], $0x1  }
0xb4: {  	[sflag:s7] =	ssyncadd.s32 @p0 $0xFFFFFFFF  }
0xb5: {  	s8 =	sshll.u32 @!p0 s1, $0xE  }
0xb6: {  	s8 =	sor.u32 @!p0 $0x4000, s8;
	s7 =	simm.s32 @!p0 $0x1B8D  }
0xb7: {  	s6 =	sshll.u32 @!p0 s6, $0x11;
	s8 =	sadd.s32 @!p0 $0x11B8D, s8;
	_ =	swait.eq @!p0 [sflag:s7], $0x1  }
0xb8: {  	s6 =	sor.u32 @!p0 s6, s8;
	[sflag:s7] =	ssyncadd.s32 @!p0 $0xFFFFFFFF  }
0xb9: {  	s25 =	simm.s32 $0x1B8E;
	s24 =	sld [smem:$0x3FFE];
	[sflag:s6] =	ssyncadd.remote.s32 @!p0 $0x1  }
0xba: {  	s26 =	simm.s32 $execute0_lowered;
	[smem:$0x3FD2] =	sst s25  }
0xbb: {  	s7 =	sshll.u32 s26, $0x1;
	_ =	strace $0x80000049;
	[dreg:$0x1] =	wrdreg $0xFFFFFFFF  }
0xbc: {  	s28 =	simm.s32 $_size_execute0_lowered;
	s5 =	sadd.s32 s5, s7;
	[dreg:$0x0] =	wrdreg $0x0  }
0xbd: {  	s7 =	sshll.u32 s28, $0x1;
	[dreg:$0x2] =	wrdreg s5  }
0xbe: {  	[dreg:$0x3] =	wrdreg s7  }
0xbf: {  	[dreg:$0x4] =	wrdreg $0xC0  }
0xc0: {  	_ =	task [dreg:s22], $0x5FFFF  }
0xc1: {  	[dreg:$0x1] =	wrdreg $0xFFFFFFFF  }
0xc2: {  	[dreg:$0x0] =	wrdreg $0x60  }
0xc3: {  	[dreg:$0x2] =	wrdreg s17  }
0xc4: {  	[dreg:$0x3] =	wrdreg s18  }
0xc5: {  	[dreg:$0x4] =	wrdreg s24  }
0xc6: {  	[dreg:$0x5] =	wrdreg $0xA  }
0xc7: {  	_ =	task.clear_ibuf [dreg:s22], $0x6FFFF;
	_ =	strace $0x90000049  }
0xc8: {  	s29 =	simm.s32 $0xA;
	_ =	strace $0x8000004B  }
0xc9: {  	_ =	swait.ge [sflag:s29], $0x1  }
0xca: {  	[sflag:s29] =	ssyncadd.s32 $0xFFFFFFFF  }
0xcb: {  	_ =	strace $0x9000004B  }
0xcc: {  	_ =	sfence  }
0xcd: {  	s30 =	sld [smem:$0x0];
	_ =	sdelay $0x2  }
0xce: {  	s31 =	sshll.u32 s1, $0xD;
	s1 =	sshrl.u32 s1, $0x2  }
0xcf: {  	s4 =	sand.u32 $0x4000, s31;
	s1 =	sadd.s32 s1, s30  }
0xd0: {  	s0 =	sor.u32 s4, s0;
	s1 =	sshll.u32 s1, $0x11  }
0xd1: {  	s0 =	sor.u32 s1, s0  }
0xd2: {  	s0 =	sadd.s32 $0x8F2B, s0  }
0xd3: {  	[sflag:s0] =	ssyncadd.remote.s32 $0x1  }
0xd4: {  	_ =	sfence.sel $0xFFFF  }
0xd5: {  	[dreg:$0x0] =	wrdreg $0xFFFFFFFF;
	(pc) =	sbr.abs _section_cstart, $3  }
0xd6: {  	[dreg:$0x1] =	wrdreg $0xFFFFFFFF  }
0xd7: {  	_ =	task.clear_ibuf [dreg:s22], $0x2FFFF;
	_ =	strace $0x9FFFFFFF  }
0xd8: {  	(tm) =	ssettm $0x7FFFFFFF  }
0xd9: {  	_ =	shalt  }
tec
execute0_lowered:
.L_overlay_start_1:
0x0: {  	(tag) =	ssettag $0x1  }
0x1: {  	v0 =	vimm.s32 $0xEFCDAB89;
	v1 =	vimm.s32 $0x67452301;
	v2 =	vimm.s32 $0xDCFE98BA;
	s4 =	rddreg [dreg:$0x0]  }
0x2: {  	s2 =	srdreg.scid;
	s1 =	rddreg [dreg:$0x1];
	v3 =	vimm.s32 $0x54761032;
	v4 =	vimm.s32 $0x543210FE;
	v5 =	vimm.s32 $0xDCBA9876  }
0x3: {  	s0 =	stileid.u32;
	s6 =	rddreg [dreg:$0x2];
	v0 =	vunpack.c.l.s4.s8 v0;
	v1 =	vunpack.c.l.s4.s8 v1;
	v2 =	vunpack.c.l.s4.s8 v2  }
0x4: {  	s3 =	simm.s32 $0x0;
	s10 =	simm.s32 $0x0;
	s5 =	sand.u32 $0x1, s2;
	v3 =	vunpack.c.l.s4.s8 v3;
	v4 =	vunpack.c.l.s4.s8 v4;
	v5 =	vunpack.c.l.s4.s8 v5  }
0x5: {  	s7 =	sshll.u32 s0, $0xE;
	s2 =	rddreg [dreg:$0x3];
	s8 =	sshll.u32 s5, $0xD;
	v0 =	vunpack.c.0.s8.s32 v0;
	v1 =	vunpack.c.0.s8.s32 v1;
	v2 =	vunpack.c.0.s8.s32 v2  }
0x6: {  	[smem:$0x7FF] =	sst s3;
	s5 =	ssub.s32 $0x2, s5;
	s7 =	sor.u32 s8, s7;
	v3 =	vunpack.c.0.s8.s32 v3;
	v4 =	vunpack.c.0.s8.s32 v4;
	v5 =	vunpack.c.0.s8.s32 v5  }
0x7: {  	_ =	strace $0x8000004A;
	s9 =	sshrl.u32 s5, $0x1;
	s8 =	sshrl.u32 s7, $0x3;
	v1 =	vcombine.low v1, v0  }
0x8: {  	s6 =	sadd.s32 s7, s6;
	s31 =	ssub.s32 s5, s9;
	s7 =	simm.s32 $0x1;
	v2 =	vcombine.low v3, v2;
	v3 =	vcombine.low v5, v4  }
0x9: {  	vm0 =	vmmov $0x3ff;
	vm1 =	vcmask $0x3328;
	s9 =	simm.s32 $0x2000;
	s4 =	sadd.s32 s8, s4;
	s5 =	sadd.s32 $0x40000, s6;
	v0 =	vlaneseq.u32  }
0xa: {  	s6 =	smax.u32 s31, $0x1;
	s8 =	simm.s32 $0x12000;
	s4 =	sadd.s32 $0x8000, s4;
	v1 =	vand.u32 $0xF, v1;
	v2 =	vand.u32 $0xF, v2;
	v3 =	vand.u32 $0xF, v3  }
.LBB2_1:
0xb: {  	[tilespmem:s3], [sflag:$0x1] =	stream.linear.gather [hbm4b:s4+s3], $0x2000, $0x38;
	[tilespmem:$0x12080] =	vst v63  }
0xc: {  	_ =	swait.ge [sflag:s7], $0x2000  }
0xd: {  	[sflag:s7] =	ssyncset.done $0x0  }
0xe: {  	[sflag:s7] =	ssyncadd.s32 $0xFFFFE000  }
0xf: {  	[tilespmem:s8], [sflag:$0x1] =	stream.linear.gather [hbm4b:s1+s3], $0x80, $0x38;
	[tilespmem:$0x12080] =	vst v63  }
0x10: {  	_ =	swait.ge [sflag:s7], $0x80  }
0x11: {  	[sflag:s7] =	ssyncset.done $0x0  }
0x12: {  	s11 =	simm.s32 $0x20;
	[sflag:s7] =	ssyncadd.s32 $0xFFFFFF80  }
0x13: {  	v4 =	vld [tilespmem:s11+$0x10]  }
0x14: {  	v5 =	vld [tilespmem:s11+$0xFFFFFFF0]  }
0x15: {  	v6 =	vld [tilespmem:s11+$0x0]  }
0x16: {  	v7 =	vld [tilespmem:s11+$0xFFFFFFE0];
	_ =	sdelay $0x1  }
0x17: {  	v4 =	vnsel vm0, $0xBF800000, v4  }
0x18: {  	v5 =	vnsel vm0, $0xBF800000, v5;
	(xrf1) =	vsort.dscd.msk.f32 $0xffff, v4, v0  }
0x19: {  	v4 =	vnsel vm0, $0xBF800000, v6;
	(xrf1) =	vsort.dscd.msk.f32 $0xffff, v5, v0  }
0x1a: {  	v5 =	vnsel vm0, $0xBF800000, v7;
	(xrf1) =	vsort.dscd.msk.f32 $0xffff, v4, v0  }
0x1b: {  	(xrf1) =	vsort.dscd.msk.f32 $0xffff, v5, v0;
	_ =	sdelay $0x5  }
0x1c: {  	v4 =	vld [tilespmem:$0x12000];
	_ =	sdelay $0x2  }
0x1d: {  	s28 =	simm.s32 $0x60  }
0x1e: {  	v9 =	vld [tilespmem:s28+$0x10]  }
0x1f: {  	vm2 =	vne.s32 v4, $0x0;
	v4, v7, _ =	vpop (xrf1)  }
0x20: {  	v14 =	vnsel vm2, $0x0, v4;
	v5, v8, _ =	vpop (xrf1)  }
0x21: {  	v15 =	vld [tilespmem:s28+$0xFFFFFFF0];
	v6 =	vperm.xlane v14, v1;
	v10, v12, _ =	vpop (xrf1)  }
0x22: {  	v17 =	vld [tilespmem:s28+$0x0];
	v4, v13, _ =	vpop (xrf1)  }
0x23: {  	v19 =	vld [tilespmem:s28+$0xFFFFFFE0];
	v9 =	vnsel vm0, $0xBF800000, v9;
	v4 =	vnsel vm2, $0x0, v4;
	v11 =	vadd.f32 v14, v6  }
0x24: {  	v5 =	vnsel vm2, $0x0, v5;
	v21 =	vperm.xlane v8, v3;
	v16 =	vperm.xlane v4, v1  }
0x25: {  	v18 =	vperm.xlane v5, v1;
	v6 =	vnsel vm2, $0x0, v10;
	v10 =	vperm.xlane v11, v2  }
0x26: {  	v22 =	vnsel vm0, $0xBF800000, v15;
	(xrf1) =	vsort.dscd.msk.f32 $0xffff, v9, v0;
	v20 =	vperm.xlane v6, v1;
	v16 =	vadd.f32 v4, v16  }
0x27: {  	v17 =	vnsel vm0, $0xBF800000, v17;
	(xrf1) =	vsort.dscd.msk.f32 $0xffff, v22, v0;
	v9 =	vadd.f32 v11, v10;
	v10 =	vadd.f32 v5, v18  }
0x28: {  	v19 =	vnsel vm0, $0xBF800000, v19;
	(xrf1) =	vsort.dscd.msk.f32 $0xffff, v17, v0;
	v11 =	vadd.f32 v6, v20;
	v18 =	vperm.xlane v16, v2  }
0x29: {  	(xrf1) =	vsort.dscd.msk.f32 $0xffff, v19, v0;
	(erf) = vrcp.f32 v9;
	v9 =	vperm.xlane v10, v2  }
0x2a: {  	v23 =	vand.u32 $0xFFFFFF80, v8;
	v16 =	vadd.f32 v16, v18;
	v18 =	vperm.xlane v11, v2  }
0x2b: {  	v24 =	vand.u32 $0xFFFFFF80, v12;
	v20 =	vperm.xlane v12, v3;
	v9 =	vadd.f32 v10, v9  }
0x2c: {  	s30 =	simm.s32 $0x0;
	v10 =	vand.u32 $0xFFFFFF80, v13;
	v15 =	vadd.f32 v11, v18;
	v18 =	vperm.xlane v13, v3  }
0x2d: {  	s29 =	simm.s32 $0x180;
	(erf) = vrcp.f32 v16;
	v11 =	vand.u32 $0xFFFFFF80, v7;
	v10 =	vadd.s32 s30, v10  }
0x2e: {  	(erf) = vrcp.f32 v9;
	v9 =	vand.u32 $0x7F, v7;
	v11 =	vadd.s32 s29, v11  }
0x2f: {  	s12 =	simm.s32 $0x100;
	v11 =	vor.u32 v9, v11;
	v9 =	vand.u32 $0x7F, v13;
	v13 =	vnsel vm1, $0x0, v18  }
0x30: {  	v18 =	vperm.xlane v7, v3;
	v9 =	vor.u32 v9, v10;
	v10 =	vadd.s32 s12, v24  }
0x31: {  	s31 =	simm.s32 $0x80;
	v8 =	vand.u32 $0x7F, v8;
	v12 =	vand.u32 $0x7F, v12;
	(erf) = vrcp.f32 v15  }
0x32: {  	v16 =	vnsel vm1, $0x0, v21;
	v15 =	vnsel vm1, $0x0, v20;
	v7 =	vadd.s32 s31, v23  }
0x33: {  	s14 =	simm.s32 $0xA0;
	s13 =	simm.s32 $0x4;
	v7 =	vor.u32 v8, v7;
	v13 =	vsel vm0, $0x0, v13;
	v17 =	vnsel vm1, $0x0, v18;
	v20 =	vpop (erf)  }
0x34: {  	s15 =	simm.s32 $0xC;
	s11 =	simm.s32 $0x8;
	s12 =	simm.s32 $0x2100;
	v8 =	vor.u32 v12, v10;
	v12 =	vld [tilespmem:s14+$0x10];
	v17 =	vsel vm0, $0x0, v17;
	v18, v10, _ =	vpop (xrf1);
	v14 =	vmul.f32 v20, v14  }
.LBB2_2:
0x35: {  	p0 =	slt.u32 s15, $0x1FC;
	v19 =	vld [tilespmem:s14+$0xFFFFFFF0];
	v20 =	vnsel vm2, $0x0, v18;
	v18, v21, _ =	vpop (xrf1);
	v16 =	vsel vm0, $0x0, v16;
	v15 =	vsel vm0, $0x0, v15;
	[tilespmem:s12+$0x80] =	vst v17  }
0x36: {  	v17 =	vld [tilespmem:s14+$0x0];
	v18 =	vnsel vm2, $0x0, v18;
	v22 =	vperm.xlane v21, v3;
	v23 =	vperm.xlane v20, v1;
	v24, v25, _ =	vpop (xrf1);
	[tilespmem:v11+s9+$0x0] =	vst.idx.msk vm2, v14  }
0x37: {  	v11 =	vld [tilespmem:s14+$0xFFFFFFE0];
	v14 =	vperm.xlane v18, v1;
	v24 =	vnsel vm2, $0x0, v24;
	v26 =	vperm.xlane v25, v3;
	v27, v28, _ =	vpop (xrf1);
	[tilespmem:s12+$0xFFFFFF00] =	vst v13  }
0x38: {  	v13 =	vnsel vm2, $0x0, v27;
	v27 =	vperm.xlane v24, v1;
	v23 =	vadd.f32 v20, v23;
	[tilespmem:s12+$0xFFFFFF80] =	vst v16;
	v16 =	vpop (erf)  }
0x39: {  	v12 =	vnsel vm0, $0xBF800000, v12;
	v29 =	vperm.xlane v13, v1;
	v14 =	vadd.f32 v18, v14;
	[tilespmem:s12+$0x0] =	vst v15;
	v15 =	vpop (erf)  }
0x3a: {  	v19 =	vnsel vm0, $0xBF800000, v19;
	(xrf1) =	vsort.dscd.msk.f32 $0xffff, v12, v0;
	v12 =	vadd.f32 v24, v27;
	v27 =	vperm.xlane v23, v2;
	v30 =	vpop (erf)  }
0x3b: {  	v17 =	vnsel vm0, $0xBF800000, v17;
	(xrf1) =	vsort.dscd.msk.f32 $0xffff, v19, v0;
	v19 =	vadd.f32 v13, v29;
	v29 =	vperm.xlane v14, v2  }
0x3c: {  	v11 =	vnsel vm0, $0xBF800000, v11;
	(xrf1) =	vsort.dscd.msk.f32 $0xffff, v17, v0;
	v17 =	vperm.xlane v12, v2;
	v23 =	vadd.f32 v23, v27  }
0x3d: {  	v27 =	vand.u32 $0xFFFFFF80, v28;
	(xrf1) =	vsort.dscd.msk.f32 $0xffff, v11, v0;
	v11 =	vperm.xlane v19, v2;
	v14 =	vadd.f32 v14, v29  }
0x3e: {  	v29 =	vperm.xlane v28, v3;
	v12 =	vadd.f32 v12, v17;
	(erf) = vrcp.f32 v23  }
0x3f: {  	v17 =	vand.u32 $0xFFFFFF80, v21;
	v11 =	vadd.f32 v19, v11;
	v19 =	vand.u32 $0xFFFFFF80, v25  }
0x40: {  	v31 =	vmul.f32 v15, v5;
	v5 =	vmovc v18;
	v23 =	vand.u32 $0x7F, v28;
	v28 =	vmul.f32 v16, v4;
	v4 =	vmovc v13  }
0x41: {  	v18 =	vand.u32 $0x7F, v25;
	v13 =	vand.u32 $0x7F, v21;
	v21 =	vmul.f32 v30, v6;
	v6 =	vmovc v24  }
0x42: {  	s16 =	sshll.u32 s13, $0x7;
	s13 =	smov.u32 s11;
	s11 =	smov.u32 s15;
	v15 =	vnsel vm1, $0x0, v26;
	v16 =	vnsel vm1, $0x0, v22;
	v24 =	vnsel vm1, $0x0, v29;
	[tilespmem:v9+s9+$0x0] =	vst.idx.msk vm2, v28  }
0x43: {  	s17 =	sadd.s32 $0x80, s16;
	s18 =	sadd.s32 $0x100, s16;
	v22 =	vand.u32 $0xFFFFFF80, v10;
	v9 =	vadd.s32 s16, v27;
	s16 =	sadd.s32 $0x180, s16;
	(erf) = vrcp.f32 v11;
	[tilespmem:v8+s9+$0x0] =	vst.idx.msk vm2, v21  }
.Ltmp0:
0x44: {  	v8 =	vand.u32 $0x7F, v10;
	v11 =	vadd.s32 s16, v22;
	(erf) = vrcp.f32 v14;
	[tilespmem:v7+s9+$0x0] =	vst.idx.msk vm2, v31;
	(pc) =	sbr.rel @p0 .LBB2_2-.Ltmp0, $4  }
0x45: {  	v21 =	vperm.xlane v10, v3;
	v11 =	vor.u32 v8, v11;
	(erf) = vrcp.f32 v12  }
0x46: {  	v9 =	vor.u32 v23, v9;
	v7 =	vadd.s32 s17, v17;
	v8 =	vadd.s32 s18, v19  }
0x47: {  	s14 =	sadd.s32 $0x40, s14;
	v7 =	vor.u32 v13, v7;
	v8 =	vor.u32 v18, v8;
	v17 =	vnsel vm1, $0x0, v21;
	v14 =	vpop (erf)  }
0x48: {  	s15 =	sadd.s32 $0x4, s15;
	s12 =	sadd.s32 $0x200, s12;
	v13 =	vsel vm0, $0x0, v24;
	v17 =	vsel vm0, $0x0, v17;
	v12 =	vld [tilespmem:s14+$0x10];
	v18, v10, _ =	vpop (xrf1);
	v14 =	vmul.f32 v14, v20  }
0x49: {  	v19 =	vld [tilespmem:s14+$0xFFFFFFF0]  }
0x4a: {  	v20 =	vld [tilespmem:s14+$0x0]  }
0x4b: {  	v21 =	vld [tilespmem:s14+$0xFFFFFFE0];
	v18 =	vnsel vm2, $0x0, v18  }
0x4c: {  	v16 =	vsel vm0, $0x0, v16;
	v15 =	vsel vm0, $0x0, v15;
	v48 =	vand.u32 $0xFFFFFF80, v10  }
0x4d: {  	v22, v23, _ =	vpop (xrf1);
	v50 =	vand.u32 $0x7F, v10;
	v52 =	vperm.xlane v10, v3;
	v24 =	vnsel vm0, $0xBF800000, v12  }
0x4e: {  	v33, v25, _ =	vpop (xrf1);
	v34 =	vperm.xlane v18, v1;
	v29 =	vperm.xlane v23, v3;
	(xrf1) =	vsort.dscd.msk.f32 $0xffff, v24, v0;
	v19 =	vnsel vm0, $0xBF800000, v19  }
0x4f: {  	s13 =	sshll.u32 s13, $0x7;
	v41 =	vand.u32 $0xFFFFFF80, v23;
	v43 =	vand.u32 $0x7F, v23;
	v27, v28, _ =	vpop (xrf1);
	v20 =	vnsel vm0, $0xBF800000, v20;
	(xrf1) =	vsort.dscd.msk.f32 $0xffff, v19, v0  }
0x50: {  	s26 =	sadd.s32 $0x180, s13;
	s28 =	sadd.s32 $0x80, s13;
	v31 =	vperm.xlane v25, v3;
	v42 =	vand.u32 $0xFFFFFF80, v25;
	v21 =	vnsel vm0, $0xBF800000, v21;
	(xrf1) =	vsort.dscd.msk.f32 $0xffff, v20, v0  }
0x51: {  	v44 =	vand.u32 $0x7F, v25;
	v51 =	vadd.s32 s26, v48;
	v54 =	vadd.s32 s28, v41;
	(xrf1) =	vsort.dscd.msk.f32 $0xffff, v21, v0  }
0x52: {  	v10 =	vnsel vm1, $0x0, v52;
	v27 =	vnsel vm2, $0x0, v27;
	v29 =	vnsel vm1, $0x0, v29  }
0x53: {  	v58 =	vor.u32 v43, v54;
	v12 =	vnsel vm2, $0x0, v22;
	v22 =	vnsel vm2, $0x0, v33  }
0x54: {  	v39 =	vpop (erf);
	v36 =	vperm.xlane v27, v1;
	v33 =	vand.u32 $0xFFFFFF80, v28;
	v24 =	vadd.f32 v18, v34  }
0x55: {  	v4 =	vmul.f32 v39, v4;
	v46 =	vnsel vm1, $0x0, v31;
	v26 =	vperm.xlane v12, v1  }
0x56: {  	v35 =	vperm.xlane v22, v1;
	v37 =	vperm.xlane v24, v2;
	v20 =	vadd.f32 v27, v36  }
0x57: {  	v41 =	vsel vm0, $0x0, v29;
	v34 =	vperm.xlane v28, v3;
	v26 =	vadd.f32 v12, v26  }
0x58: {  	v19 =	vadd.f32 v22, v35;
	v21 =	vadd.f32 v24, v37;
	v38 =	vperm.xlane v20, v2  }
0x59: {  	v28 =	vand.u32 $0x7F, v28;
	v47 =	vadd.s32 s13, v33;
	v30 =	vperm.xlane v26, v2  }
0x5a: {  	v40 =	vpop (erf);
	s13 =	sadd.s32 $0x100, s13;
	v32 =	vperm.xlane v19, v2;
	(erf) = vrcp.f32 v21;
	v20 =	vadd.f32 v20, v38  }
0x5b: {  	v5 =	vmul.f32 v40, v5;
	v55 =	vadd.s32 s13, v42;
	v35 =	vpop (erf);
	v26 =	vadd.f32 v26, v30  }
0x5c: {  	[tilespmem:s12+$0xFFFFFF80] =	vst v16;
	v45 =	vnsel vm1, $0x0, v34;
	v19 =	vadd.f32 v19, v32;
	(erf) = vrcp.f32 v20;
	v49, v34, _ =	vpop (xrf1)  }
0x5d: {  	v59 =	vor.u32 v44, v55;
	[tilespmem:v7+s9+$0x0] =	vst.idx.msk vm2, v5;
	v5 =	vsel vm0, $0x0, v46;
	(erf) = vrcp.f32 v26;
	v53, v36, _ =	vpop (xrf1)  }
0x5e: {  	(erf) = vrcp.f32 v19;
	v19 =	vor.u32 v28, v47;
	v20 =	vnsel vm2, $0x0, v49;
	v28, v31, _ =	vpop (xrf1)  }
0x5f: {  	[tilespmem:s12+$0x80] =	vst v17;
	v6 =	vmul.f32 v35, v6;
	v38 =	vsel vm0, $0x0, v10;
	v37 =	vperm.xlane v20, v1;
	v57, v56, _ =	vpop (xrf1)  }
0x60: {  	[tilespmem:s12+$0xFFFFFF00] =	vst v13;
	v26 =	vor.u32 v50, v51;
	v51 =	vand.u32 $0xFFFFFF80, v34;
	v17 =	vnsel vm2, $0x0, v57  }
0x61: {  	[tilespmem:v11+s9+$0x0] =	vst.idx.msk vm2, v14;
	v21 =	vnsel vm2, $0x0, v53;
	v37 =	vadd.f32 v20, v37;
	v61 =	vperm.xlane v17, v1  }
0x62: {  	[tilespmem:v9+s9+$0x0] =	vst.idx.msk vm2, v4;
	v54 =	vperm.xlane v34, v3;
	v63 =	vperm.xlane v21, v1;
	v28 =	vnsel vm2, $0x0, v28  }
0x63: {  	v60 =	vpop (erf);
	v33 =	vperm.xlane v28, v1;
	v62 =	vperm.xlane v37, v2;
	v23 =	vadd.f32 v17, v61  }
0x64: {  	v4 =	vmul.f32 v60, v18;
	v44 =	vperm.xlane v36, v3;
	v9 =	vadd.f32 v21, v63  }
0x65: {  	v39 =	vadd.f32 v28, v33;
	v32 =	vadd.f32 v37, v62;
	v40 =	vperm.xlane v23, v2  }
0x66: {  	s29 =	sadd.s32 $0x200, s12;
	s11 =	sshll.u32 s11, $0x7;
	[tilespmem:s12+$0x0] =	vst v15;
	v48 =	vand.u32 $0xFFFFFF80, v36;
	v53 =	vand.u32 $0x7F, v34;
	v42 =	vperm.xlane v9, v2  }
0x67: {  	s30 =	sadd.s32 $0x180, s11;
	[tilespmem:s29+$0xFFFFFF80] =	vst v41;
	v43 =	vperm.xlane v39, v2;
	(erf) = vrcp.f32 v32;
	v10 =	vadd.f32 v23, v40  }
0x68: {  	[tilespmem:s29+$0x80] =	vst v38;
	v18 =	vadd.s32 s30, v51;
	v47 =	vperm.xlane v56, v3;
	v9 =	vadd.f32 v9, v42  }
0x69: {  	v50 =	vand.u32 $0xFFFFFF80, v31;
	[tilespmem:v26+s9+$0x0] =	vst.idx.msk vm2, v4;
	v4 =	vpop (erf);
	v7 =	vadd.f32 v39, v43;
	(erf) = vrcp.f32 v10  }
0x6a: {  	[tilespmem:v8+s9+$0x0] =	vst.idx.msk vm2, v6;
	v16 =	vor.u32 v53, v18;
	v8 =	vnsel vm1, $0x0, v47;
	v49 =	vpop (erf);
	(erf) = vrcp.f32 v9  }
0x6b: {  	s12 =	sadd.s32 $0x200, s29;
	[tilespmem:s29+$0x0] =	vst v5;
	v46 =	vand.u32 $0xFFFFFF80, v56;
	v8 =	vsel vm0, $0x0, v8;
	v52 =	vpop (erf);
	(erf) = vrcp.f32 v7  }
0x6c: {  	v55 =	vand.u32 $0x7F, v56;
	v37 =	vsel vm0, $0x0, v45;
	[tilespmem:s12+$0xFFFFFF00] =	vst v8;
	v5 =	vmul.f32 v52, v22  }
0x6d: {  	v6 =	vadd.s32 s11, v46;
	v4 =	vmul.f32 v4, v27;
	v45 =	vperm.xlane v31, v3;
	[tilespmem:s29+$0xFFFFFF00] =	vst v37  }
0x6e: {  	v56 =	vand.u32 $0x7F, v36;
	v6 =	vor.u32 v55, v6;
	[tilespmem:v59+s9+$0x0] =	vst.idx.msk vm2, v5;
	v5 =	vnsel vm1, $0x0, v54  }
0x6f: {  	s31 =	sadd.s32 $0x100, s11;
	s11 =	sadd.s32 $0x80, s11;
	[tilespmem:v19+s9+$0x0] =	vst.idx.msk vm2, v4;
	v4 =	vand.u32 $0x7F, v31;
	v61 =	vnsel vm1, $0x0, v45;
	v5 =	vsel vm0, $0x0, v5  }
0x70: {  	[tilespmem:s12+$0x80] =	vst v5;
	v5 =	vadd.s32 s11, v48;
	v10 =	vsel vm0, $0x0, v61;
	v9 =	vmul.f32 v49, v12;
	v57 =	vpop (erf)  }
0x71: {  	v59 =	vadd.s32 s31, v50;
	v5 =	vor.u32 v56, v5;
	[tilespmem:s12+$0x0] =	vst v10;
	v7 =	vmul.f32 v57, v20  }
0x72: {  	v4 =	vor.u32 v4, v59;
	[tilespmem:v58+s9+$0x0] =	vst.idx.msk vm2, v9;
	v58 =	vnsel vm1, $0x0, v44;
	v60 =	vpop (erf)  }
0x73: {  	v9 =	vsel vm0, $0x0, v58;
	[tilespmem:v16+s9+$0x0] =	vst.idx.msk vm2, v7;
	v62 =	vpop (erf);
	v7 =	vmul.f32 v60, v17  }
0x74: {  	[tilespmem:s12+$0xFFFFFF80] =	vst v9;
	v63 =	vpop (erf);
	v8 =	vmul.f32 v62, v21  }
0x75: {  	s10 =	sadd.s32 $0x1, s10;
	v9 =	vmul.f32 v63, v28;
	[tilespmem:v6+s9+$0x0] =	vst.idx.msk vm2, v7  }
0x76: {  	p0 =	sne.s32 s10, s6;
	[tilespmem:v5+s9+$0x0] =	vst.idx.msk vm2, v8  }
.Ltmp1:
0x77: {  	[tilespmem:v4+s9+$0x0] =	vst.idx.msk vm2, v9;
	(pc) =	sbr.rel @p0 .LBB2_1-.Ltmp1, $4  }
0x78: {  	[hbm4b:s5+s3] =	stream.linear.scatter [tilespmem:s9], [sflag:$0x1], $0x10000, $0x38;
	[tilespmem:$0x12080] =	vst v63  }
0x79: {  	_ =	swait.ge [sflag:s7], $0x10000  }
0x7a: {  	[sflag:s7] =	ssyncset.done $0x0  }
0x7b: {  	[sflag:s7] =	ssyncadd.s32 $0xFFFF0000  }
0x7c: {  	_ =	sfence.sel $0x180000  }
0x7d: {  	[bflag:$0x0] =	sbarrier.arrive $0xFFFF  }
0x7e: {  	p0 =	sne.s32 s0, $0x0;
	_ =	strace $0x9000004A  }
0x7f: {  	s0 =	sadd.s32 @!p0 $0x100000, s2;
	[bflag:$0x2] =	sbarrier.arrive $0xFFFF  }
0x80: {  	[sflag:s0] =	ssyncadd.tile.s32 @!p0 $0x1;
	_ =	shalt  }
.Lfunc_end2:
_tile_overlayer_lowered:
.L_overlay_start_2:
0x81: {  	(tag) =	ssettag $0x2  }
0x82: {  	s0 =	rddreg [dreg:$0x0];
	s2 =	stileid.u32  }
0x83: {  	s1 =	rddreg [dreg:$0x1];
	p0 =	sne.s32 s2, $0x0  }
0x84: {  	s3 =	rddreg [dreg:$0x2];
	[bflag:$0x3] =	sbarrier.arrive $0xFFFF;
	s2 =	simm.s32 @!p0 $0x1C01  }
0x85: {  	[timem:s3], [sflag:s2] =	dma.local @!p0 [hbm:s0], s1  }
0x86: {  	s0 =	simm.s32 @!p0 $0x1  }
0x87: {  	_ =	swait.ge @!p0 [sflag:s0], s1  }
0x88: {  	s1 =	ssub.s32 @!p0 $0x0, s1;
	[sflag:s0] =	ssyncset.done @!p0 $0x0  }
0x89: {  	[sflag:s0] =	ssyncadd.s32 @!p0 s1  }
0x8a: {  	[bflag:$0x3] =	sbarrier.arrive $0xFFFF  }
0x8b: {  	_ =	shalt  }

</sc_bundles>
